<compile_context>
chip_gen: v7x
topology: tpu7x:2x2x1
jax: 0.10.2.dev20260603
libtpu: 0.0.44.dev20260713+nightly
codegen_flags: <defaults>
</compile_context>

<pallas_src>
import functools

import jax
import jax.numpy as jnp
from jax import lax
from jax.experimental import pallas as pl
from jax.experimental.pallas import tpu as pltpu
from jax.experimental.pallas import tpu_sc as plsc

_C = 1000
_B = 16384
_NC = 2
_NS = 16
_NW = _NC * _NS
_RPW = _B // _NW
_CHUNK = 16
_NCHUNK = _RPW // _CHUNK
_L = 16
_GROUPS = _CHUNK // _L
_NBUF = 2


def _onehot_body(labels_hbm, zeros_hbm, out_hbm, lbl_v, buf0, buf1,
                 sem0, sem1):
    cid = lax.axis_index("c")
    sid = lax.axis_index("s")
    wid = sid * _NC + cid
    base = wid * _RPW

    bufs = [buf0, buf1]
    sems = [sem0, sem1]

    pltpu.sync_copy(labels_hbm.at[pl.ds(base, _RPW)], lbl_v)
    zfill = []
    for b in range(_NBUF):
        d = pltpu.make_async_copy(zeros_hbm, bufs[b], sems[b])
        d.start()
        zfill.append(d)

    ones_v = jnp.ones((_L,), jnp.int32)
    zeros_v = jnp.zeros((_L,), jnp.int32)
    lane_v = lax.iota(jnp.int32, _L)

    def scatter(g, buf, val):
        row0 = g * _CHUNK
        for j in range(_GROUPS):
            rows = lane_v + (j * _L)
            cols = lbl_v[pl.ds(row0 + j * _L, _L)]
            plsc.store_scatter(buf, [rows, cols], val)

    copies = [None] * _NCHUNK
    for g in range(_NCHUNK):
        b = g % _NBUF
        if g < _NBUF:
            zfill[b].wait()
        else:
            copies[g - _NBUF].wait()
            scatter(g - _NBUF, bufs[b], zeros_v)
        scatter(g, bufs[b], ones_v)
        d = pltpu.make_async_copy(
            bufs[b],
            out_hbm.at[pl.ds(base + g * _CHUNK, _CHUNK), :],
            sems[b],
        )
        d.start()
        copies[g] = d
    for g in range(_NCHUNK - _NBUF, _NCHUNK):
        copies[g].wait()


@jax.jit
def kernel(labels):
    labels = labels.astype(jnp.int32)
    zeros_block = jnp.zeros((_CHUNK, _C), jnp.int32)
    mesh = plsc.VectorSubcoreMesh(core_axis_name="c", subcore_axis_name="s")
    run = functools.partial(
        pl.kernel,
        out_type=jax.ShapeDtypeStruct((_B, _C), jnp.int32),
        mesh=mesh,
        scratch_types=[
            pltpu.VMEM((_RPW,), jnp.int32),
            pltpu.VMEM((_CHUNK, _C), jnp.int32),
            pltpu.VMEM((_CHUNK, _C), jnp.int32),
            pltpu.SemaphoreType.DMA,
            pltpu.SemaphoreType.DMA,
        ],
        compiler_params=pltpu.CompilerParams(needs_layout_passes=False),
    )(_onehot_body)
    return run(labels, zeros_block)

# --- scband reference (transcript-rebuilt; emitter-appended) ---
"""Pipeline reference for scband-one-hot-encoder-41412074668756 (READ-ONLY COPY).

The authoritative reference and input builder live on the scoring server;
editing this copy changes nothing except your own understanding.
"""

import jax, jax.numpy as jnp
import numpy as np

NUM_CLASSES = 1000
BATCH = 16384

def setup_inputs(seed: int = 0) -> dict:
    key = jax.random.key(seed)
    labels = jax.random.randint(key, (BATCH,), 0, NUM_CLASSES)
    return {"labels": labels}

def reference(labels) -> jnp.ndarray:
    # torch.nn.functional.one_hot(labels, num_classes) -> int64 tensor [B, C]
    # jax equivalent: integer one-hot via comparison against class ids
    out = jax.nn.one_hot(labels, NUM_CLASSES, dtype=jnp.int32)
    return out

if __name__ == "__main__":
    import jax
    _d = setup_inputs()
    print(jax.jit(kernel)(*tuple(_d.values())))

</pallas_src>

<mosaic_0001>
#map = affine_map<(d0, d1) -> (0)>
#map1 = affine_map<(d0, d1) -> (0, 0)>
module attributes {stable_mosaic.version = 14 : i64} {
  func.func @_onehot_body(%arg0: i32, %arg1: i32, %arg2: memref<16384xi32, #tpu.memory_space<hbm>>, %arg3: memref<16x1000xi32, #tpu.memory_space<hbm>>, %arg4: memref<16384x1000xi32, #tpu.memory_space<hbm>>, %arg5: memref<512xi32, #tpu.memory_space<vmem>>, %arg6: memref<16x1000xi32, #tpu.memory_space<vmem>>, %arg7: memref<16x1000xi32, #tpu.memory_space<vmem>>, %arg8: memref<!tpu.dma_semaphore, #tpu.memory_space<semaphore_mem>>, %arg9: memref<!tpu.dma_semaphore, #tpu.memory_space<semaphore_mem>>) attributes {dimension_semantics = [#tpu.dimension_semantics<core_parallel>, #tpu.dimension_semantics<subcore_parallel>], iteration_bounds = array<i64: 2, 16>, scalar_prefetch = 0 : i64, scratch_operands = 5 : i64, tpu.core_type = #tpu.core_type<sc_vector_subcore>, window_params = [{transform_indices = #map}, {transform_indices = #map1}, {transform_indices = #map1}]} {
    %mul3A = arith.constant 2 : i32
    %mul3A_0 = arith.muli %arg1, %mul3A : i32
    %add3A = arith.addi %mul3A_0, %arg0 : i32
    %mul3A_1 = arith.constant 512 : i32
    %mul3A_2 = arith.muli %add3A, %mul3A_1 : i32
    "tpu.region"() ({
      %run_scoped3A = tpu.sem_alloc : memref<!tpu.dma_semaphore, #tpu.memory_space<semaphore_mem>>
      %dma_start3A_633 = tpu.memref_slice %arg2[%mul3A_2] : memref<16384xi32, #tpu.memory_space<hbm>> -> memref<512xi32, #tpu.memory_space<hbm>>
      %dma_start3A_634 = tpu.memref_slice %arg2[%mul3A_2] : memref<16384xi32, #tpu.memory_space<hbm>> -> memref<512xi32, #tpu.memory_space<hbm>>
      tpu.enqueue_dma source(%dma_start3A_634 : memref<512xi32, #tpu.memory_space<hbm>>) target(%arg5 : memref<512xi32, #tpu.memory_space<vmem>>) target_semaphore(%run_scoped3A : memref<!tpu.dma_semaphore, #tpu.memory_space<semaphore_mem>>)
      %dma_wait3A_635 = tpu.memref_slice %arg2[%mul3A_2] : memref<16384xi32, #tpu.memory_space<hbm>> -> memref<512xi32, #tpu.memory_space<hbm>>
      %dma_wait3A_636 = tpu.memref_slice %arg2[%mul3A_2] : memref<16384xi32, #tpu.memory_space<hbm>> -> memref<512xi32, #tpu.memory_space<hbm>>
      tpu.wait_dma2 semaphore(%run_scoped3A : memref<!tpu.dma_semaphore, #tpu.memory_space<semaphore_mem>>) src(%dma_wait3A_636 : memref<512xi32, #tpu.memory_space<hbm>>) dst(%arg5 : memref<512xi32, #tpu.memory_space<vmem>>)
      tpu.yield
    }) : () -> ()
    tpu.enqueue_dma source(%arg3 : memref<16x1000xi32, #tpu.memory_space<hbm>>) target(%arg6 : memref<16x1000xi32, #tpu.memory_space<vmem>>) target_semaphore(%arg8 : memref<!tpu.dma_semaphore, #tpu.memory_space<semaphore_mem>>)
    tpu.enqueue_dma source(%arg3 : memref<16x1000xi32, #tpu.memory_space<hbm>>) target(%arg7 : memref<16x1000xi32, #tpu.memory_space<vmem>>) target_semaphore(%arg9 : memref<!tpu.dma_semaphore, #tpu.memory_space<semaphore_mem>>)
    %broadcast_in_dim3A = arith.constant 1 : i32
    %broadcast_in_dim3A_3 = vector.broadcast %broadcast_in_dim3A : i32 to vector<16xi32>
    %broadcast_in_dim3A_4 = arith.constant 0 : i32
    %broadcast_in_dim3A_5 = vector.broadcast %broadcast_in_dim3A_4 : i32 to vector<16xi32>
    %iota3A = tpu.iota {dimensions = array<i32: 0>} : vector<16xi32>
    tpu.wait_dma2 semaphore(%arg8 : memref<!tpu.dma_semaphore, #tpu.memory_space<semaphore_mem>>) src(%arg3 : memref<16x1000xi32, #tpu.memory_space<hbm>>) dst(%arg6 : memref<16x1000xi32, #tpu.memory_space<vmem>>)
    %add3A_6 = arith.constant 0 : i32
    %add3A_7 = vector.broadcast %add3A_6 : i32 to vector<16xi32>
    %add3A_8 = arith.addi %iota3A, %add3A_7 : vector<16xi32>
    %get3A = arith.constant 0 : index
    %get3A_9 = tpu.vector_load %arg5[%get3A] {strides = array<i32>} : memref<512xi32, #tpu.memory_space<vmem>>, vector<16xi32>,
    tpu.vector_store_idx %arg6[%add3A_8, %get3A_9], %broadcast_in_dim3A_3 : memref<16x1000xi32, #tpu.memory_space<vmem>>[vector<16xi32>, vector<16xi32>], vector<16xi32>,
    %add3A_10 = arith.constant 0 : i32
    %add3A_11 = arith.addi %mul3A_2, %add3A_10 : i32
    %dma_start3A = arith.constant 0 : i32
    %dma_start3A_12 = tpu.memref_slice %arg4[%add3A_11, %dma_start3A] : memref<16384x1000xi32, #tpu.memory_space<hbm>> -> memref<16x1000xi32, #tpu.memory_space<hbm>>
    %dma_start3A_13 = arith.constant 0 : i32
    %dma_start3A_14 = tpu.memref_slice %arg4[%add3A_11, %dma_start3A_13] : memref<16384x1000xi32, #tpu.memory_space<hbm>> -> memref<16x1000xi32, #tpu.memory_space<hbm>>
    tpu.enqueue_dma source(%arg6 : memref<16x1000xi32, #tpu.memory_space<vmem>>) target(%dma_start3A_14 : memref<16x1000xi32, #tpu.memory_space<hbm>>) target_semaphore(%arg8 : memref<!tpu.dma_semaphore, #tpu.memory_space<semaphore_mem>>)
    tpu.wait_dma2 semaphore(%arg9 : memref<!tpu.dma_semaphore, #tpu.memory_space<semaphore_mem>>) src(%arg3 : memref<16x1000xi32, #tpu.memory_space<hbm>>) dst(%arg7 : memref<16x1000xi32, #tpu.memory_space<vmem>>)
    %add3A_15 = arith.constant 0 : i32
    %add3A_16 = vector.broadcast %add3A_15 : i32 to vector<16xi32>
    %add3A_17 = arith.addi %iota3A, %add3A_16 : vector<16xi32>
    %get3A_18 = arith.constant 16 : index
    %get3A_19 = tpu.vector_load %arg5[%get3A_18] {strides = array<i32>} : memref<512xi32, #tpu.memory_space<vmem>>, vector<16xi32>,
    tpu.vector_store_idx %arg7[%add3A_17, %get3A_19], %broadcast_in_dim3A_3 : memref<16x1000xi32, #tpu.memory_space<vmem>>[vector<16xi32>, vector<16xi32>], vector<16xi32>,
    %add3A_20 = arith.constant 16 : i32
    %add3A_21 = arith.addi %mul3A_2, %add3A_20 : i32
    %dma_start3A_22 = arith.constant 0 : i32
    %dma_start3A_23 = tpu.memref_slice %arg4[%add3A_21, %dma_start3A_22] : memref<16384x1000xi32, #tpu.memory_space<hbm>> -> memref<16x1000xi32, #tpu.memory_space<hbm>>
    %dma_start3A_24 = arith.constant 0 : i32
    %dma_start3A_25 = tpu.memref_slice %arg4[%add3A_21, %dma_start3A_24] : memref<16384x1000xi32, #tpu.memory_space<hbm>> -> memref<16x1000xi32, #tpu.memory_space<hbm>>
    tpu.enqueue_dma source(%arg7 : memref<16x1000xi32, #tpu.memory_space<vmem>>) target(%dma_start3A_25 : memref<16x1000xi32, #tpu.memory_space<hbm>>) target_semaphore(%arg9 : memref<!tpu.dma_semaphore, #tpu.memory_space<semaphore_mem>>)
    %dma_wait3A = arith.constant 0 : i32
    %dma_wait3A_26 = tpu.memref_slice %arg4[%add3A_11, %dma_wait3A] : memref<16384x1000xi32, #tpu.memory_space<hbm>> -> memref<16x1000xi32, #tpu.memory_space<hbm>>
    %dma_wait3A_27 = arith.constant 0 : i32
    %dma_wait3A_28 = tpu.memref_slice %arg4[%add3A_11, %dma_wait3A_27] : memref<16384x1000xi32, #tpu.memory_space<hbm>> -> memref<16x1000xi32, #tpu.memory_space<hbm>>
    tpu.wait_dma2 semaphore(%arg8 : memref<!tpu.dma_semaphore, #tpu.memory_space<semaphore_mem>>) src(%arg6 : memref<16x1000xi32, #tpu.memory_space<vmem>>) dst(%dma_wait3A_28 : memref<16x1000xi32, #tpu.memory_space<hbm>>)
    %add3A_29 = arith.constant 0 : i32
    %add3A_30 = vector.broadcast %add3A_29 : i32 to vector<16xi32>
    %add3A_31 = arith.addi %iota3A, %add3A_30 : vector<16xi32>
    %get3A_32 = arith.constant 0 : index
    %get3A_33 = tpu.vector_load %arg5[%get3A_32] {strides = array<i32>} : memref<512xi32, #tpu.memory_space<vmem>>, vector<16xi32>,
    tpu.vector_store_idx %arg6[%add3A_31, %get3A_33], %broadcast_in_dim3A_5 : memref<16x1000xi32, #tpu.memory_space<vmem>>[vector<16xi32>, vector<16xi32>], vector<16xi32>,
    %add3A_34 = arith.constant 0 : i32
    %add3A_35 = vector.broadcast %add3A_34 : i32 to vector<16xi32>
    %add3A_36 = arith.addi %iota3A, %add3A_35 : vector<16xi32>
    %get3A_37 = arith.constant 32 : index
    %get3A_38 = tpu.vector_load %arg5[%get3A_37] {strides = array<i32>} : memref<512xi32, #tpu.memory_space<vmem>>, vector<16xi32>,
    tpu.vector_store_idx %arg6[%add3A_36, %get3A_38], %broadcast_in_dim3A_3 : memref<16x1000xi32, #tpu.memory_space<vmem>>[vector<16xi32>, vector<16xi32>], vector<16xi32>,
    %add3A_39 = arith.constant 32 : i32
    %add3A_40 = arith.addi %mul3A_2, %add3A_39 : i32
    %dma_start3A_41 = arith.constant 0 : i32
    %dma_start3A_42 = tpu.memref_slice %arg4[%add3A_40, %dma_start3A_41] : memref<16384x1000xi32, #tpu.memory_space<hbm>> -> memref<16x1000xi32, #tpu.memory_space<hbm>>
    %dma_start3A_43 = arith.constant 0 : i32
    %dma_start3A_44 = tpu.memref_slice %arg4[%add3A_40, %dma_start3A_43] : memref<16384x1000xi32, #tpu.memory_space<hbm>> -> memref<16x1000xi32, #tpu.memory_space<hbm>>
    tpu.enqueue_dma source(%arg6 : memref<16x1000xi32, #tpu.memory_space<vmem>>) target(%dma_start3A_44 : memref<16x1000xi32, #tpu.memory_space<hbm>>) target_semaphore(%arg8 : memref<!tpu.dma_semaphore, #tpu.memory_space<semaphore_mem>>)
    %dma_wait3A_45 = arith.constant 0 : i32
    %dma_wait3A_46 = tpu.memref_slice %arg4[%add3A_21, %dma_wait3A_45] : memref<16384x1000xi32, #tpu.memory_space<hbm>> -> memref<16x1000xi32, #tpu.memory_space<hbm>>
    %dma_wait3A_47 = arith.constant 0 : i32
    %dma_wait3A_48 = tpu.memref_slice %arg4[%add3A_21, %dma_wait3A_47] : memref<16384x1000xi32, #tpu.memory_space<hbm>> -> memref<16x1000xi32, #tpu.memory_space<hbm>>
    tpu.wait_dma2 semaphore(%arg9 : memref<!tpu.dma_semaphore, #tpu.memory_space<semaphore_mem>>) src(%arg7 : memref<16x1000xi32, #tpu.memory_space<vmem>>) dst(%dma_wait3A_48 : memref<16x1000xi32, #tpu.memory_space<hbm>>)
    %add3A_49 = arith.constant 0 : i32
    %add3A_50 = vector.broadcast %add3A_49 : i32 to vector<16xi32>
    %add3A_51 = arith.addi %iota3A, %add3A_50 : vector<16xi32>
    %get3A_52 = arith.constant 16 : index
    %get3A_53 = tpu.vector_load %arg5[%get3A_52] {strides = array<i32>} : memref<512xi32, #tpu.memory_space<vmem>>, vector<16xi32>,
    tpu.vector_store_idx %arg7[%add3A_51, %get3A_53], %broadcast_in_dim3A_5 : memref<16x1000xi32, #tpu.memory_space<vmem>>[vector<16xi32>, vector<16xi32>], vector<16xi32>,
    %add3A_54 = arith.constant 0 : i32
    %add3A_55 = vector.broadcast %add3A_54 : i32 to vector<16xi32>
    %add3A_56 = arith.addi %iota3A, %add3A_55 : vector<16xi32>
    %get3A_57 = arith.constant 48 : index
    %get3A_58 = tpu.vector_load %arg5[%get3A_57] {strides = array<i32>} : memref<512xi32, #tpu.memory_space<vmem>>, vector<16xi32>,
    tpu.vector_store_idx %arg7[%add3A_56, %get3A_58], %broadcast_in_dim3A_3 : memref<16x1000xi32, #tpu.memory_space<vmem>>[vector<16xi32>, vector<16xi32>], vector<16xi32>,
    %add3A_59 = arith.constant 48 : i32
    %add3A_60 = arith.addi %mul3A_2, %add3A_59 : i32
    %dma_start3A_61 = arith.constant 0 : i32
    %dma_start3A_62 = tpu.memref_slice %arg4[%add3A_60, %dma_start3A_61] : memref<16384x1000xi32, #tpu.memory_space<hbm>> -> memref<16x1000xi32, #tpu.memory_space<hbm>>
    %dma_start3A_63 = arith.constant 0 : i32
    %dma_start3A_64 = tpu.memref_slice %arg4[%add3A_60, %dma_start3A_63] : memref<16384x1000xi32, #tpu.memory_space<hbm>> -> memref<16x1000xi32, #tpu.memory_space<hbm>>
    tpu.enqueue_dma source(%arg7 : memref<16x1000xi32, #tpu.memory_space<vmem>>) target(%dma_start3A_64 : memref<16x1000xi32, #tpu.memory_space<hbm>>) target_semaphore(%arg9 : memref<!tpu.dma_semaphore, #tpu.memory_space<semaphore_mem>>)
    %dma_wait3A_65 = arith.constant 0 : i32
    %dma_wait3A_66 = tpu.memref_slice %arg4[%add3A_40, %dma_wait3A_65] : memref<16384x1000xi32, #tpu.memory_space<hbm>> -> memref<16x1000xi32, #tpu.memory_space<hbm>>
    %dma_wait3A_67 = arith.constant 0 : i32
    %dma_wait3A_68 = tpu.memref_slice %arg4[%add3A_40, %dma_wait3A_67] : memref<16384x1000xi32, #tpu.memory_space<hbm>> -> memref<16x1000xi32, #tpu.memory_space<hbm>>
    tpu.wait_dma2 semaphore(%arg8 : memref<!tpu.dma_semaphore, #tpu.memory_space<semaphore_mem>>) src(%arg6 : memref<16x1000xi32, #tpu.memory_space<vmem>>) dst(%dma_wait3A_68 : memref<16x1000xi32, #tpu.memory_space<hbm>>)
    %add3A_69 = arith.constant 0 : i32
    %add3A_70 = vector.broadcast %add3A_69 : i32 to vector<16xi32>
    %add3A_71 = arith.addi %iota3A, %add3A_70 : vector<16xi32>
    %get3A_72 = arith.constant 32 : index
    %get3A_73 = tpu.vector_load %arg5[%get3A_72] {strides = array<i32>} : memref<512xi32, #tpu.memory_space<vmem>>, vector<16xi32>,
    tpu.vector_store_idx %arg6[%add3A_71, %get3A_73], %broadcast_in_dim3A_5 : memref<16x1000xi32, #tpu.memory_space<vmem>>[vector<16xi32>, vector<16xi32>], vector<16xi32>,
    %add3A_74 = arith.constant 0 : i32
    %add3A_75 = vector.broadcast %add3A_74 : i32 to vector<16xi32>
    %add3A_76 = arith.addi %iota3A, %add3A_75 : vector<16xi32>
    %get3A_77 = arith.constant 64 : index
    %get3A_78 = tpu.vector_load %arg5[%get3A_77] {strides = array<i32>} : memref<512xi32, #tpu.memory_space<vmem>>, vector<16xi32>,
    tpu.vector_store_idx %arg6[%add3A_76, %get3A_78], %broadcast_in_dim3A_3 : memref<16x1000xi32, #tpu.memory_space<vmem>>[vector<16xi32>, vector<16xi32>], vector<16xi32>,
    %add3A_79 = arith.constant 64 : i32
    %add3A_80 = arith.addi %mul3A_2, %add3A_79 : i32
    %dma_start3A_81 = arith.constant 0 : i32
    %dma_start3A_82 = tpu.memref_slice %arg4[%add3A_80, %dma_start3A_81] : memref<16384x1000xi32, #tpu.memory_space<hbm>> -> memref<16x1000xi32, #tpu.memory_space<hbm>>
    %dma_start3A_83 = arith.constant 0 : i32
    %dma_start3A_84 = tpu.memref_slice %arg4[%add3A_80, %dma_start3A_83] : memref<16384x1000xi32, #tpu.memory_space<hbm>> -> memref<16x1000xi32, #tpu.memory_space<hbm>>
    tpu.enqueue_dma source(%arg6 : memref<16x1000xi32, #tpu.memory_space<vmem>>) target(%dma_start3A_84 : memref<16x1000xi32, #tpu.memory_space<hbm>>) target_semaphore(%arg8 : memref<!tpu.dma_semaphore, #tpu.memory_space<semaphore_mem>>)
    %dma_wait3A_85 = arith.constant 0 : i32
    %dma_wait3A_86 = tpu.memref_slice %arg4[%add3A_60, %dma_wait3A_85] : memref<16384x1000xi32, #tpu.memory_space<hbm>> -> memref<16x1000xi32, #tpu.memory_space<hbm>>
    %dma_wait3A_87 = arith.constant 0 : i32
    %dma_wait3A_88 = tpu.memref_slice %arg4[%add3A_60, %dma_wait3A_87] : memref<16384x1000xi32, #tpu.memory_space<hbm>> -> memref<16x1000xi32, #tpu.memory_space<hbm>>
    tpu.wait_dma2 semaphore(%arg9 : memref<!tpu.dma_semaphore, #tpu.memory_space<semaphore_mem>>) src(%arg7 : memref<16x1000xi32, #tpu.memory_space<vmem>>) dst(%dma_wait3A_88 : memref<16x1000xi32, #tpu.memory_space<hbm>>)
    %add3A_89 = arith.constant 0 : i32
    %add3A_90 = vector.broadcast %add3A_89 : i32 to vector<16xi32>
    %add3A_91 = arith.addi %iota3A, %add3A_90 : vector<16xi32>
    %get3A_92 = arith.constant 48 : index
    %get3A_93 = tpu.vector_load %arg5[%get3A_92] {strides = array<i32>} : memref<512xi32, #tpu.memory_space<vmem>>, vector<16xi32>,
    tpu.vector_store_idx %arg7[%add3A_91, %get3A_93], %broadcast_in_dim3A_5 : memref<16x1000xi32, #tpu.memory_space<vmem>>[vector<16xi32>, vector<16xi32>], vector<16xi32>,
    %add3A_94 = arith.constant 0 : i32
    %add3A_95 = vector.broadcast %add3A_94 : i32 to vector<16xi32>
    %add3A_96 = arith.addi %iota3A, %add3A_95 : vector<16xi32>
    %get3A_97 = arith.constant 80 : index
    %get3A_98 = tpu.vector_load %arg5[%get3A_97] {strides = array<i32>} : memref<512xi32, #tpu.memory_space<vmem>>, vector<16xi32>,
    tpu.vector_store_idx %arg7[%add3A_96, %get3A_98], %broadcast_in_dim3A_3 : memref<16x1000xi32, #tpu.memory_space<vmem>>[vector<16xi32>, vector<16xi32>], vector<16xi32>,
    %add3A_99 = arith.constant 80 : i32
    %add3A_100 = arith.addi %mul3A_2, %add3A_99 : i32
    %dma_start3A_101 = arith.constant 0 : i32
    %dma_start3A_102 = tpu.memref_slice %arg4[%add3A_100, %dma_start3A_101] : memref<16384x1000xi32, #tpu.memory_space<hbm>> -> memref<16x1000xi32, #tpu.memory_space<hbm>>
    %dma_start3A_103 = arith.constant 0 : i32
    %dma_start3A_104 = tpu.memref_slice %arg4[%add3A_100, %dma_start3A_103] : memref<16384x1000xi32, #tpu.memory_space<hbm>> -> memref<16x1000xi32, #tpu.memory_space<hbm>>
    tpu.enqueue_dma source(%arg7 : memref<16x1000xi32, #tpu.memory_space<vmem>>) target(%dma_start3A_104 : memref<16x1000xi32, #tpu.memory_space<hbm>>) target_semaphore(%arg9 : memref<!tpu.dma_semaphore, #tpu.memory_space<semaphore_mem>>)
    %dma_wait3A_105 = arith.constant 0 : i32
    %dma_wait3A_106 = tpu.memref_slice %arg4[%add3A_80, %dma_wait3A_105] : memref<16384x1000xi32, #tpu.memory_space<hbm>> -> memref<16x1000xi32, #tpu.memory_space<hbm>>
    %dma_wait3A_107 = arith.constant 0 : i32
    %dma_wait3A_108 = tpu.memref_slice %arg4[%add3A_80, %dma_wait3A_107] : memref<16384x1000xi32, #tpu.memory_space<hbm>> -> memref<16x1000xi32, #tpu.memory_space<hbm>>
    tpu.wait_dma2 semaphore(%arg8 : memref<!tpu.dma_semaphore, #tpu.memory_space<semaphore_mem>>) src(%arg6 : memref<16x1000xi32, #tpu.memory_space<vmem>>) dst(%dma_wait3A_108 : memref<16x1000xi32, #tpu.memory_space<hbm>>)
    %add3A_109 = arith.constant 0 : i32
    %add3A_110 = vector.broadcast %add3A_109 : i32 to vector<16xi32>
    %add3A_111 = arith.addi %iota3A, %add3A_110 : vector<16xi32>
    %get3A_112 = arith.constant 64 : index
    %get3A_113 = tpu.vector_load %arg5[%get3A_112] {strides = array<i32>} : memref<512xi32, #tpu.memory_space<vmem>>, vector<16xi32>,
    tpu.vector_store_idx %arg6[%add3A_111, %get3A_113], %broadcast_in_dim3A_5 : memref<16x1000xi32, #tpu.memory_space<vmem>>[vector<16xi32>, vector<16xi32>], vector<16xi32>,
    %add3A_114 = arith.constant 0 : i32
    %add3A_115 = vector.broadcast %add3A_114 : i32 to vector<16xi32>
    %add3A_116 = arith.addi %iota3A, %add3A_115 : vector<16xi32>
    %get3A_117 = arith.constant 96 : index
    %get3A_118 = tpu.vector_load %arg5[%get3A_117] {strides = array<i32>} : memref<512xi32, #tpu.memory_space<vmem>>, vector<16xi32>,
    tpu.vector_store_idx %arg6[%add3A_116, %get3A_118], %broadcast_in_dim3A_3 : memref<16x1000xi32, #tpu.memory_space<vmem>>[vector<16xi32>, vector<16xi32>], vector<16xi32>,
    %add3A_119 = arith.constant 96 : i32
    %add3A_120 = arith.addi %mul3A_2, %add3A_119 : i32
    %dma_start3A_121 = arith.constant 0 : i32
    %dma_start3A_122 = tpu.memref_slice %arg4[%add3A_120, %dma_start3A_121] : memref<16384x1000xi32, #tpu.memory_space<hbm>> -> memref<16x1000xi32, #tpu.memory_space<hbm>>
    %dma_start3A_123 = arith.constant 0 : i32
    %dma_start3A_124 = tpu.memref_slice %arg4[%add3A_120, %dma_start3A_123] : memref<16384x1000xi32, #tpu.memory_space<hbm>> -> memref<16x1000xi32, #tpu.memory_space<hbm>>
    tpu.enqueue_dma source(%arg6 : memref<16x1000xi32, #tpu.memory_space<vmem>>) target(%dma_start3A_124 : memref<16x1000xi32, #tpu.memory_space<hbm>>) target_semaphore(%arg8 : memref<!tpu.dma_semaphore, #tpu.memory_space<semaphore_mem>>)
    %dma_wait3A_125 = arith.constant 0 : i32
    %dma_wait3A_126 = tpu.memref_slice %arg4[%add3A_100, %dma_wait3A_125] : memref<16384x1000xi32, #tpu.memory_space<hbm>> -> memref<16x1000xi32, #tpu.memory_space<hbm>>
    %dma_wait3A_127 = arith.constant 0 : i32
    %dma_wait3A_128 = tpu.memref_slice %arg4[%add3A_100, %dma_wait3A_127] : memref<16384x1000xi32, #tpu.memory_space<hbm>> -> memref<16x1000xi32, #tpu.memory_space<hbm>>
    tpu.wait_dma2 semaphore(%arg9 : memref<!tpu.dma_semaphore, #tpu.memory_space<semaphore_mem>>) src(%arg7 : memref<16x1000xi32, #tpu.memory_space<vmem>>) dst(%dma_wait3A_128 : memref<16x1000xi32, #tpu.memory_space<hbm>>)
    %add3A_129 = arith.constant 0 : i32
    %add3A_130 = vector.broadcast %add3A_129 : i32 to vector<16xi32>
    %add3A_131 = arith.addi %iota3A, %add3A_130 : vector<16xi32>
    %get3A_132 = arith.constant 80 : index
    %get3A_133 = tpu.vector_load %arg5[%get3A_132] {strides = array<i32>} : memref<512xi32, #tpu.memory_space<vmem>>, vector<16xi32>,
    tpu.vector_store_idx %arg7[%add3A_131, %get3A_133], %broadcast_in_dim3A_5 : memref<16x1000xi32, #tpu.memory_space<vmem>>[vector<16xi32>, vector<16xi32>], vector<16xi32>,
    %add3A_134 = arith.constant 0 : i32
    %add3A_135 = vector.broadcast %add3A_134 : i32 to vector<16xi32>
    %add3A_136 = arith.addi %iota3A, %add3A_135 : vector<16xi32>
    %get3A_137 = arith.constant 112 : index
    %get3A_138 = tpu.vector_load %arg5[%get3A_137] {strides = array<i32>} : memref<512xi32, #tpu.memory_space<vmem>>, vector<16xi32>,
    tpu.vector_store_idx %arg7[%add3A_136, %get3A_138], %broadcast_in_dim3A_3 : memref<16x1000xi32, #tpu.memory_space<vmem>>[vector<16xi32>, vector<16xi32>], vector<16xi32>,
    %add3A_139 = arith.constant 112 : i32
    %add3A_140 = arith.addi %mul3A_2, %add3A_139 : i32
    %dma_start3A_141 = arith.constant 0 : i32
    %dma_start3A_142 = tpu.memref_slice %arg4[%add3A_140, %dma_start3A_141] : memref<16384x1000xi32, #tpu.memory_space<hbm>> -> memref<16x1000xi32, #tpu.memory_space<hbm>>
    %dma_start3A_143 = arith.constant 0 : i32
    %dma_start3A_144 = tpu.memref_slice %arg4[%add3A_140, %dma_start3A_143] : memref<16384x1000xi32, #tpu.memory_space<hbm>> -> memref<16x1000xi32, #tpu.memory_space<hbm>>
    tpu.enqueue_dma source(%arg7 : memref<16x1000xi32, #tpu.memory_space<vmem>>) target(%dma_start3A_144 : memref<16x1000xi32, #tpu.memory_space<hbm>>) target_semaphore(%arg9 : memref<!tpu.dma_semaphore, #tpu.memory_space<semaphore_mem>>)
    %dma_wait3A_145 = arith.constant 0 : i32
    %dma_wait3A_146 = tpu.memref_slice %arg4[%add3A_120, %dma_wait3A_145] : memref<16384x1000xi32, #tpu.memory_space<hbm>> -> memref<16x1000xi32, #tpu.memory_space<hbm>>
    %dma_wait3A_147 = arith.constant 0 : i32
    %dma_wait3A_148 = tpu.memref_slice %arg4[%add3A_120, %dma_wait3A_147] : memref<16384x1000xi32, #tpu.memory_space<hbm>> -> memref<16x1000xi32, #tpu.memory_space<hbm>>
    tpu.wait_dma2 semaphore(%arg8 : memref<!tpu.dma_semaphore, #tpu.memory_space<semaphore_mem>>) src(%arg6 : memref<16x1000xi32, #tpu.memory_space<vmem>>) dst(%dma_wait3A_148 : memref<16x1000xi32, #tpu.memory_space<hbm>>)
    %add3A_149 = arith.constant 0 : i32
    %add3A_150 = vector.broadcast %add3A_149 : i32 to vector<16xi32>
    %add3A_151 = arith.addi %iota3A, %add3A_150 : vector<16xi32>
    %get3A_152 = arith.constant 96 : index
    %get3A_153 = tpu.vector_load %arg5[%get3A_152] {strides = array<i32>} : memref<512xi32, #tpu.memory_space<vmem>>, vector<16xi32>,
    tpu.vector_store_idx %arg6[%add3A_151, %get3A_153], %broadcast_in_dim3A_5 : memref<16x1000xi32, #tpu.memory_space<vmem>>[vector<16xi32>, vector<16xi32>], vector<16xi32>,
    %add3A_154 = arith.constant 0 : i32
    %add3A_155 = vector.broadcast %add3A_154 : i32 to vector<16xi32>
    %add3A_156 = arith.addi %iota3A, %add3A_155 : vector<16xi32>
    %get3A_157 = arith.constant 128 : index
    %get3A_158 = tpu.vector_load %arg5[%get3A_157] {strides = array<i32>} : memref<512xi32, #tpu.memory_space<vmem>>, vector<16xi32>,
    tpu.vector_store_idx %arg6[%add3A_156, %get3A_158], %broadcast_in_dim3A_3 : memref<16x1000xi32, #tpu.memory_space<vmem>>[vector<16xi32>, vector<16xi32>], vector<16xi32>,
    %add3A_159 = arith.constant 128 : i32
    %add3A_160 = arith.addi %mul3A_2, %add3A_159 : i32
    %dma_start3A_161 = arith.constant 0 : i32
    %dma_start3A_162 = tpu.memref_slice %arg4[%add3A_160, %dma_start3A_161] : memref<16384x1000xi32, #tpu.memory_space<hbm>> -> memref<16x1000xi32, #tpu.memory_space<hbm>>
    %dma_start3A_163 = arith.constant 0 : i32
    %dma_start3A_164 = tpu.memref_slice %arg4[%add3A_160, %dma_start3A_163] : memref<16384x1000xi32, #tpu.memory_space<hbm>> -> memref<16x1000xi32, #tpu.memory_space<hbm>>
    tpu.enqueue_dma source(%arg6 : memref<16x1000xi32, #tpu.memory_space<vmem>>) target(%dma_start3A_164 : memref<16x1000xi32, #tpu.memory_space<hbm>>) target_semaphore(%arg8 : memref<!tpu.dma_semaphore, #tpu.memory_space<semaphore_mem>>)
    %dma_wait3A_165 = arith.constant 0 : i32
    %dma_wait3A_166 = tpu.memref_slice %arg4[%add3A_140, %dma_wait3A_165] : memref<16384x1000xi32, #tpu.memory_space<hbm>> -> memref<16x1000xi32, #tpu.memory_space<hbm>>
    %dma_wait3A_167 = arith.constant 0 : i32
    %dma_wait3A_168 = tpu.memref_slice %arg4[%add3A_140, %dma_wait3A_167] : memref<16384x1000xi32, #tpu.memory_space<hbm>> -> memref<16x1000xi32, #tpu.memory_space<hbm>>
    tpu.wait_dma2 semaphore(%arg9 : memref<!tpu.dma_semaphore, #tpu.memory_space<semaphore_mem>>) src(%arg7 : memref<16x1000xi32, #tpu.memory_space<vmem>>) dst(%dma_wait3A_168 : memref<16x1000xi32, #tpu.memory_space<hbm>>)
    %add3A_169 = arith.constant 0 : i32
    %add3A_170 = vector.broadcast %add3A_169 : i32 to vector<16xi32>
    %add3A_171 = arith.addi %iota3A, %add3A_170 : vector<16xi32>
    %get3A_172 = arith.constant 112 : index
    %get3A_173 = tpu.vector_load %arg5[%get3A_172] {strides = array<i32>} : memref<512xi32, #tpu.memory_space<vmem>>, vector<16xi32>,
    tpu.vector_store_idx %arg7[%add3A_171, %get3A_173], %broadcast_in_dim3A_5 : memref<16x1000xi32, #tpu.memory_space<vmem>>[vector<16xi32>, vector<16xi32>], vector<16xi32>,
    %add3A_174 = arith.constant 0 : i32
    %add3A_175 = vector.broadcast %add3A_174 : i32 to vector<16xi32>
    %add3A_176 = arith.addi %iota3A, %add3A_175 : vector<16xi32>
    %get3A_177 = arith.constant 144 : index
    %get3A_178 = tpu.vector_load %arg5[%get3A_177] {strides = array<i32>} : memref<512xi32, #tpu.memory_space<vmem>>, vector<16xi32>,
    tpu.vector_store_idx %arg7[%add3A_176, %get3A_178], %broadcast_in_dim3A_3 : memref<16x1000xi32, #tpu.memory_space<vmem>>[vector<16xi32>, vector<16xi32>], vector<16xi32>,
    %add3A_179 = arith.constant 144 : i32
    %add3A_180 = arith.addi %mul3A_2, %add3A_179 : i32
    %dma_start3A_181 = arith.constant 0 : i32
    %dma_start3A_182 = tpu.memref_slice %arg4[%add3A_180, %dma_start3A_181] : memref<16384x1000xi32, #tpu.memory_space<hbm>> -> memref<16x1000xi32, #tpu.memory_space<hbm>>
    %dma_start3A_183 = arith.constant 0 : i32
    %dma_start3A_184 = tpu.memref_slice %arg4[%add3A_180, %dma_start3A_183] : memref<16384x1000xi32, #tpu.memory_space<hbm>> -> memref<16x1000xi32, #tpu.memory_space<hbm>>
    tpu.enqueue_dma source(%arg7 : memref<16x1000xi32, #tpu.memory_space<vmem>>) target(%dma_start3A_184 : memref<16x1000xi32, #tpu.memory_space<hbm>>) target_semaphore(%arg9 : memref<!tpu.dma_semaphore, #tpu.memory_space<semaphore_mem>>)
    %dma_wait3A_185 = arith.constant 0 : i32
    %dma_wait3A_186 = tpu.memref_slice %arg4[%add3A_160, %dma_wait3A_185] : memref<16384x1000xi32, #tpu.memory_space<hbm>> -> memref<16x1000xi32, #tpu.memory_space<hbm>>
    %dma_wait3A_187 = arith.constant 0 : i32
    %dma_wait3A_188 = tpu.memref_slice %arg4[%add3A_160, %dma_wait3A_187] : memref<16384x1000xi32, #tpu.memory_space<hbm>> -> memref<16x1000xi32, #tpu.memory_space<hbm>>
    tpu.wait_dma2 semaphore(%arg8 : memref<!tpu.dma_semaphore, #tpu.memory_space<semaphore_mem>>) src(%arg6 : memref<16x1000xi32, #tpu.memory_space<vmem>>) dst(%dma_wait3A_188 : memref<16x1000xi32, #tpu.memory_space<hbm>>)
    %add3A_189 = arith.constant 0 : i32
    %add3A_190 = vector.broadcast %add3A_189 : i32 to vector<16xi32>
    %add3A_191 = arith.addi %iota3A, %add3A_190 : vector<16xi32>
    %get3A_192 = arith.constant 128 : index
    %get3A_193 = tpu.vector_load %arg5[%get3A_192] {strides = array<i32>} : memref<512xi32, #tpu.memory_space<vmem>>, vector<16xi32>,
    tpu.vector_store_idx %arg6[%add3A_191, %get3A_193], %broadcast_in_dim3A_5 : memref<16x1000xi32, #tpu.memory_space<vmem>>[vector<16xi32>, vector<16xi32>], vector<16xi32>,
    %add3A_194 = arith.constant 0 : i32
    %add3A_195 = vector.broadcast %add3A_194 : i32 to vector<16xi32>
    %add3A_196 = arith.addi %iota3A, %add3A_195 : vector<16xi32>
    %get3A_197 = arith.constant 160 : index
    %get3A_198 = tpu.vector_load %arg5[%get3A_197] {strides = array<i32>} : memref<512xi32, #tpu.memory_space<vmem>>, vector<16xi32>,
    tpu.vector_store_idx %arg6[%add3A_196, %get3A_198], %broadcast_in_dim3A_3 : memref<16x1000xi32, #tpu.memory_space<vmem>>[vector<16xi32>, vector<16xi32>], vector<16xi32>,
    %add3A_199 = arith.constant 160 : i32
    %add3A_200 = arith.addi %mul3A_2, %add3A_199 : i32
    %dma_start3A_201 = arith.constant 0 : i32
    %dma_start3A_202 = tpu.memref_slice %arg4[%add3A_200, %dma_start3A_201] : memref<16384x1000xi32, #tpu.memory_space<hbm>> -> memref<16x1000xi32, #tpu.memory_space<hbm>>
    %dma_start3A_203 = arith.constant 0 : i32
    %dma_start3A_204 = tpu.memref_slice %arg4[%add3A_200, %dma_start3A_203] : memref<16384x1000xi32, #tpu.memory_space<hbm>> -> memref<16x1000xi32, #tpu.memory_space<hbm>>
    tpu.enqueue_dma source(%arg6 : memref<16x1000xi32, #tpu.memory_space<vmem>>) target(%dma_start3A_204 : memref<16x1000xi32, #tpu.memory_space<hbm>>) target_semaphore(%arg8 : memref<!tpu.dma_semaphore, #tpu.memory_space<semaphore_mem>>)
    %dma_wait3A_205 = arith.constant 0 : i32
    %dma_wait3A_206 = tpu.memref_slice %arg4[%add3A_180, %dma_wait3A_205] : memref<16384x1000xi32, #tpu.memory_space<hbm>> -> memref<16x1000xi32, #tpu.memory_space<hbm>>
    %dma_wait3A_207 = arith.constant 0 : i32
    %dma_wait3A_208 = tpu.memref_slice %arg4[%add3A_180, %dma_wait3A_207] : memref<16384x1000xi32, #tpu.memory_space<hbm>> -> memref<16x1000xi32, #tpu.memory_space<hbm>>
    tpu.wait_dma2 semaphore(%arg9 : memref<!tpu.dma_semaphore, #tpu.memory_space<semaphore_mem>>) src(%arg7 : memref<16x1000xi32, #tpu.memory_space<vmem>>) dst(%dma_wait3A_208 : memref<16x1000xi32, #tpu.memory_space<hbm>>)
    %add3A_209 = arith.constant 0 : i32
    %add3A_210 = vector.broadcast %add3A_209 : i32 to vector<16xi32>
    %add3A_211 = arith.addi %iota3A, %add3A_210 : vector<16xi32>
    %get3A_212 = arith.constant 144 : index
    %get3A_213 = tpu.vector_load %arg5[%get3A_212] {strides = array<i32>} : memref<512xi32, #tpu.memory_space<vmem>>, vector<16xi32>,
    tpu.vector_store_idx %arg7[%add3A_211, %get3A_213], %broadcast_in_dim3A_5 : memref<16x1000xi32, #tpu.memory_space<vmem>>[vector<16xi32>, vector<16xi32>], vector<16xi32>,
    %add3A_214 = arith.constant 0 : i32
    %add3A_215 = vector.broadcast %add3A_214 : i32 to vector<16xi32>
    %add3A_216 = arith.addi %iota3A, %add3A_215 : vector<16xi32>
    %get3A_217 = arith.constant 176 : index
    %get3A_218 = tpu.vector_load %arg5[%get3A_217] {strides = array<i32>} : memref<512xi32, #tpu.memory_space<vmem>>, vector<16xi32>,
    tpu.vector_store_idx %arg7[%add3A_216, %get3A_218], %broadcast_in_dim3A_3 : memref<16x1000xi32, #tpu.memory_space<vmem>>[vector<16xi32>, vector<16xi32>], vector<16xi32>,
    %add3A_219 = arith.constant 176 : i32
    %add3A_220 = arith.addi %mul3A_2, %add3A_219 : i32
    %dma_start3A_221 = arith.constant 0 : i32
    %dma_start3A_222 = tpu.memref_slice %arg4[%add3A_220, %dma_start3A_221] : memref<16384x1000xi32, #tpu.memory_space<hbm>> -> memref<16x1000xi32, #tpu.memory_space<hbm>>
    %dma_start3A_223 = arith.constant 0 : i32
    %dma_start3A_224 = tpu.memref_slice %arg4[%add3A_220, %dma_start3A_223] : memref<16384x1000xi32, #tpu.memory_space<hbm>> -> memref<16x1000xi32, #tpu.memory_space<hbm>>
    tpu.enqueue_dma source(%arg7 : memref<16x1000xi32, #tpu.memory_space<vmem>>) target(%dma_start3A_224 : memref<16x1000xi32, #tpu.memory_space<hbm>>) target_semaphore(%arg9 : memref<!tpu.dma_semaphore, #tpu.memory_space<semaphore_mem>>)
    %dma_wait3A_225 = arith.constant 0 : i32
    %dma_wait3A_226 = tpu.memref_slice %arg4[%add3A_200, %dma_wait3A_225] : memref<16384x1000xi32, #tpu.memory_space<hbm>> -> memref<16x1000xi32, #tpu.memory_space<hbm>>
    %dma_wait3A_227 = arith.constant 0 : i32
    %dma_wait3A_228 = tpu.memref_slice %arg4[%add3A_200, %dma_wait3A_227] : memref<16384x1000xi32, #tpu.memory_space<hbm>> -> memref<16x1000xi32, #tpu.memory_space<hbm>>
    tpu.wait_dma2 semaphore(%arg8 : memref<!tpu.dma_semaphore, #tpu.memory_space<semaphore_mem>>) src(%arg6 : memref<16x1000xi32, #tpu.memory_space<vmem>>) dst(%dma_wait3A_228 : memref<16x1000xi32, #tpu.memory_space<hbm>>)
    %add3A_229 = arith.constant 0 : i32
    %add3A_230 = vector.broadcast %add3A_229 : i32 to vector<16xi32>
    %add3A_231 = arith.addi %iota3A, %add3A_230 : vector<16xi32>
    %get3A_232 = arith.constant 160 : index
    %get3A_233 = tpu.vector_load %arg5[%get3A_232] {strides = array<i32>} : memref<512xi32, #tpu.memory_space<vmem>>, vector<16xi32>,
    tpu.vector_store_idx %arg6[%add3A_231, %get3A_233], %broadcast_in_dim3A_5 : memref<16x1000xi32, #tpu.memory_space<vmem>>[vector<16xi32>, vector<16xi32>], vector<16xi32>,
    %add3A_234 = arith.constant 0 : i32
    %add3A_235 = vector.broadcast %add3A_234 : i32 to vector<16xi32>
    %add3A_236 = arith.addi %iota3A, %add3A_235 : vector<16xi32>
    %get3A_237 = arith.constant 192 : index
    %get3A_238 = tpu.vector_load %arg5[%get3A_237] {strides = array<i32>} : memref<512xi32, #tpu.memory_space<vmem>>, vector<16xi32>,
    tpu.vector_store_idx %arg6[%add3A_236, %get3A_238], %broadcast_in_dim3A_3 : memref<16x1000xi32, #tpu.memory_space<vmem>>[vector<16xi32>, vector<16xi32>], vector<16xi32>,
    %add3A_239 = arith.constant 192 : i32
    %add3A_240 = arith.addi %mul3A_2, %add3A_239 : i32
    %dma_start3A_241 = arith.constant 0 : i32
    %dma_start3A_242 = tpu.memref_slice %arg4[%add3A_240, %dma_start3A_241] : memref<16384x1000xi32, #tpu.memory_space<hbm>> -> memref<16x1000xi32, #tpu.memory_space<hbm>>
    %dma_start3A_243 = arith.constant 0 : i32
    %dma_start3A_244 = tpu.memref_slice %arg4[%add3A_240, %dma_start3A_243] : memref<16384x1000xi32, #tpu.memory_space<hbm>> -> memref<16x1000xi32, #tpu.memory_space<hbm>>
    tpu.enqueue_dma source(%arg6 : memref<16x1000xi32, #tpu.memory_space<vmem>>) target(%dma_start3A_244 : memref<16x1000xi32, #tpu.memory_space<hbm>>) target_semaphore(%arg8 : memref<!tpu.dma_semaphore, #tpu.memory_space<semaphore_mem>>)
    %dma_wait3A_245 = arith.constant 0 : i32
    %dma_wait3A_246 = tpu.memref_slice %arg4[%add3A_220, %dma_wait3A_245] : memref<16384x1000xi32, #tpu.memory_space<hbm>> -> memref<16x1000xi32, #tpu.memory_space<hbm>>
    %dma_wait3A_247 = arith.constant 0 : i32
    %dma_wait3A_248 = tpu.memref_slice %arg4[%add3A_220, %dma_wait3A_247] : memref<16384x1000xi32, #tpu.memory_space<hbm>> -> memref<16x1000xi32, #tpu.memory_space<hbm>>
    tpu.wait_dma2 semaphore(%arg9 : memref<!tpu.dma_semaphore, #tpu.memory_space<semaphore_mem>>) src(%arg7 : memref<16x1000xi32, #tpu.memory_space<vmem>>) dst(%dma_wait3A_248 : memref<16x1000xi32, #tpu.memory_space<hbm>>)
    %add3A_249 = arith.constant 0 : i32
    %add3A_250 = vector.broadcast %add3A_249 : i32 to vector<16xi32>
    %add3A_251 = arith.addi %iota3A, %add3A_250 : vector<16xi32>
    %get3A_252 = arith.constant 176 : index
    %get3A_253 = tpu.vector_load %arg5[%get3A_252] {strides = array<i32>} : memref<512xi32, #tpu.memory_space<vmem>>, vector<16xi32>,
    tpu.vector_store_idx %arg7[%add3A_251, %get3A_253], %broadcast_in_dim3A_5 : memref<16x1000xi32, #tpu.memory_space<vmem>>[vector<16xi32>, vector<16xi32>], vector<16xi32>,
    %add3A_254 = arith.constant 0 : i32
    %add3A_255 = vector.broadcast %add3A_254 : i32 to vector<16xi32>
    %add3A_256 = arith.addi %iota3A, %add3A_255 : vector<16xi32>
    %get3A_257 = arith.constant 208 : index
    %get3A_258 = tpu.vector_load %arg5[%get3A_257] {strides = array<i32>} : memref<512xi32, #tpu.memory_space<vmem>>, vector<16xi32>,
    tpu.vector_store_idx %arg7[%add3A_256, %get3A_258], %broadcast_in_dim3A_3 : memref<16x1000xi32, #tpu.memory_space<vmem>>[vector<16xi32>, vector<16xi32>], vector<16xi32>,
    %add3A_259 = arith.constant 208 : i32
    %add3A_260 = arith.addi %mul3A_2, %add3A_259 : i32
    %dma_start3A_261 = arith.constant 0 : i32
    %dma_start3A_262 = tpu.memref_slice %arg4[%add3A_260, %dma_start3A_261] : memref<16384x1000xi32, #tpu.memory_space<hbm>> -> memref<16x1000xi32, #tpu.memory_space<hbm>>
    %dma_start3A_263 = arith.constant 0 : i32
    %dma_start3A_264 = tpu.memref_slice %arg4[%add3A_260, %dma_start3A_263] : memref<16384x1000xi32, #tpu.memory_space<hbm>> -> memref<16x1000xi32, #tpu.memory_space<hbm>>
    tpu.enqueue_dma source(%arg7 : memref<16x1000xi32, #tpu.memory_space<vmem>>) target(%dma_start3A_264 : memref<16x1000xi32, #tpu.memory_space<hbm>>) target_semaphore(%arg9 : memref<!tpu.dma_semaphore, #tpu.memory_space<semaphore_mem>>)
    %dma_wait3A_265 = arith.constant 0 : i32
    %dma_wait3A_266 = tpu.memref_slice %arg4[%add3A_240, %dma_wait3A_265] : memref<16384x1000xi32, #tpu.memory_space<hbm>> -> memref<16x1000xi32, #tpu.memory_space<hbm>>
    %dma_wait3A_267 = arith.constant 0 : i32
    %dma_wait3A_268 = tpu.memref_slice %arg4[%add3A_240, %dma_wait3A_267] : memref<16384x1000xi32, #tpu.memory_space<hbm>> -> memref<16x1000xi32, #tpu.memory_space<hbm>>
    tpu.wait_dma2 semaphore(%arg8 : memref<!tpu.dma_semaphore, #tpu.memory_space<semaphore_mem>>) src(%arg6 : memref<16x1000xi32, #tpu.memory_space<vmem>>) dst(%dma_wait3A_268 : memref<16x1000xi32, #tpu.memory_space<hbm>>)
    %add3A_269 = arith.constant 0 : i32
    %add3A_270 = vector.broadcast %add3A_269 : i32 to vector<16xi32>
    %add3A_271 = arith.addi %iota3A, %add3A_270 : vector<16xi32>
    %get3A_272 = arith.constant 192 : index
    %get3A_273 = tpu.vector_load %arg5[%get3A_272] {strides = array<i32>} : memref<512xi32, #tpu.memory_space<vmem>>, vector<16xi32>,
    tpu.vector_store_idx %arg6[%add3A_271, %get3A_273], %broadcast_in_dim3A_5 : memref<16x1000xi32, #tpu.memory_space<vmem>>[vector<16xi32>, vector<16xi32>], vector<16xi32>,
    %add3A_274 = arith.constant 0 : i32
    %add3A_275 = vector.broadcast %add3A_274 : i32 to vector<16xi32>
    %add3A_276 = arith.addi %iota3A, %add3A_275 : vector<16xi32>
    %get3A_277 = arith.constant 224 : index
    %get3A_278 = tpu.vector_load %arg5[%get3A_277] {strides = array<i32>} : memref<512xi32, #tpu.memory_space<vmem>>, vector<16xi32>,
    tpu.vector_store_idx %arg6[%add3A_276, %get3A_278], %broadcast_in_dim3A_3 : memref<16x1000xi32, #tpu.memory_space<vmem>>[vector<16xi32>, vector<16xi32>], vector<16xi32>,
    %add3A_279 = arith.constant 224 : i32
    %add3A_280 = arith.addi %mul3A_2, %add3A_279 : i32
    %dma_start3A_281 = arith.constant 0 : i32
    %dma_start3A_282 = tpu.memref_slice %arg4[%add3A_280, %dma_start3A_281] : memref<16384x1000xi32, #tpu.memory_space<hbm>> -> memref<16x1000xi32, #tpu.memory_space<hbm>>
    %dma_start3A_283 = arith.constant 0 : i32
    %dma_start3A_284 = tpu.memref_slice %arg4[%add3A_280, %dma_start3A_283] : memref<16384x1000xi32, #tpu.memory_space<hbm>> -> memref<16x1000xi32, #tpu.memory_space<hbm>>
    tpu.enqueue_dma source(%arg6 : memref<16x1000xi32, #tpu.memory_space<vmem>>) target(%dma_start3A_284 : memref<16x1000xi32, #tpu.memory_space<hbm>>) target_semaphore(%arg8 : memref<!tpu.dma_semaphore, #tpu.memory_space<semaphore_mem>>)
    %dma_wait3A_285 = arith.constant 0 : i32
    %dma_wait3A_286 = tpu.memref_slice %arg4[%add3A_260, %dma_wait3A_285] : memref<16384x1000xi32, #tpu.memory_space<hbm>> -> memref<16x1000xi32, #tpu.memory_space<hbm>>
    %dma_wait3A_287 = arith.constant 0 : i32
    %dma_wait3A_288 = tpu.memref_slice %arg4[%add3A_260, %dma_wait3A_287] : memref<16384x1000xi32, #tpu.memory_space<hbm>> -> memref<16x1000xi32, #tpu.memory_space<hbm>>
    tpu.wait_dma2 semaphore(%arg9 : memref<!tpu.dma_semaphore, #tpu.memory_space<semaphore_mem>>) src(%arg7 : memref<16x1000xi32, #tpu.memory_space<vmem>>) dst(%dma_wait3A_288 : memref<16x1000xi32, #tpu.memory_space<hbm>>)
    %add3A_289 = arith.constant 0 : i32
    %add3A_290 = vector.broadcast %add3A_289 : i32 to vector<16xi32>
    %add3A_291 = arith.addi %iota3A, %add3A_290 : vector<16xi32>
    %get3A_292 = arith.constant 208 : index
    %get3A_293 = tpu.vector_load %arg5[%get3A_292] {strides = array<i32>} : memref<512xi32, #tpu.memory_space<vmem>>, vector<16xi32>,
    tpu.vector_store_idx %arg7[%add3A_291, %get3A_293], %broadcast_in_dim3A_5 : memref<16x1000xi32, #tpu.memory_space<vmem>>[vector<16xi32>, vector<16xi32>], vector<16xi32>,
    %add3A_294 = arith.constant 0 : i32
    %add3A_295 = vector.broadcast %add3A_294 : i32 to vector<16xi32>
    %add3A_296 = arith.addi %iota3A, %add3A_295 : vector<16xi32>
    %get3A_297 = arith.constant 240 : index
    %get3A_298 = tpu.vector_load %arg5[%get3A_297] {strides = array<i32>} : memref<512xi32, #tpu.memory_space<vmem>>, vector<16xi32>,
    tpu.vector_store_idx %arg7[%add3A_296, %get3A_298], %broadcast_in_dim3A_3 : memref<16x1000xi32, #tpu.memory_space<vmem>>[vector<16xi32>, vector<16xi32>], vector<16xi32>,
    %add3A_299 = arith.constant 240 : i32
    %add3A_300 = arith.addi %mul3A_2, %add3A_299 : i32
    %dma_start3A_301 = arith.constant 0 : i32
    %dma_start3A_302 = tpu.memref_slice %arg4[%add3A_300, %dma_start3A_301] : memref<16384x1000xi32, #tpu.memory_space<hbm>> -> memref<16x1000xi32, #tpu.memory_space<hbm>>
    %dma_start3A_303 = arith.constant 0 : i32
    %dma_start3A_304 = tpu.memref_slice %arg4[%add3A_300, %dma_start3A_303] : memref<16384x1000xi32, #tpu.memory_space<hbm>> -> memref<16x1000xi32, #tpu.memory_space<hbm>>
    tpu.enqueue_dma source(%arg7 : memref<16x1000xi32, #tpu.memory_space<vmem>>) target(%dma_start3A_304 : memref<16x1000xi32, #tpu.memory_space<hbm>>) target_semaphore(%arg9 : memref<!tpu.dma_semaphore, #tpu.memory_space<semaphore_mem>>)
    %dma_wait3A_305 = arith.constant 0 : i32
    %dma_wait3A_306 = tpu.memref_slice %arg4[%add3A_280, %dma_wait3A_305] : memref<16384x1000xi32, #tpu.memory_space<hbm>> -> memref<16x1000xi32, #tpu.memory_space<hbm>>
    %dma_wait3A_307 = arith.constant 0 : i32
    %dma_wait3A_308 = tpu.memref_slice %arg4[%add3A_280, %dma_wait3A_307] : memref<16384x1000xi32, #tpu.memory_space<hbm>> -> memref<16x1000xi32, #tpu.memory_space<hbm>>
    tpu.wait_dma2 semaphore(%arg8 : memref<!tpu.dma_semaphore, #tpu.memory_space<semaphore_mem>>) src(%arg6 : memref<16x1000xi32, #tpu.memory_space<vmem>>) dst(%dma_wait3A_308 : memref<16x1000xi32, #tpu.memory_space<hbm>>)
    %add3A_309 = arith.constant 0 : i32
    %add3A_310 = vector.broadcast %add3A_309 : i32 to vector<16xi32>
    %add3A_311 = arith.addi %iota3A, %add3A_310 : vector<16xi32>
    %get3A_312 = arith.constant 224 : index
    %get3A_313 = tpu.vector_load %arg5[%get3A_312] {strides = array<i32>} : memref<512xi32, #tpu.memory_space<vmem>>, vector<16xi32>,
    tpu.vector_store_idx %arg6[%add3A_311, %get3A_313], %broadcast_in_dim3A_5 : memref<16x1000xi32, #tpu.memory_space<vmem>>[vector<16xi32>, vector<16xi32>], vector<16xi32>,
    %add3A_314 = arith.constant 0 : i32
    %add3A_315 = vector.broadcast %add3A_314 : i32 to vector<16xi32>
    %add3A_316 = arith.addi %iota3A, %add3A_315 : vector<16xi32>
    %get3A_317 = arith.constant 256 : index
    %get3A_318 = tpu.vector_load %arg5[%get3A_317] {strides = array<i32>} : memref<512xi32, #tpu.memory_space<vmem>>, vector<16xi32>,
    tpu.vector_store_idx %arg6[%add3A_316, %get3A_318], %broadcast_in_dim3A_3 : memref<16x1000xi32, #tpu.memory_space<vmem>>[vector<16xi32>, vector<16xi32>], vector<16xi32>,
    %add3A_319 = arith.constant 256 : i32
    %add3A_320 = arith.addi %mul3A_2, %add3A_319 : i32
    %dma_start3A_321 = arith.constant 0 : i32
    %dma_start3A_322 = tpu.memref_slice %arg4[%add3A_320, %dma_start3A_321] : memref<16384x1000xi32, #tpu.memory_space<hbm>> -> memref<16x1000xi32, #tpu.memory_space<hbm>>
    %dma_start3A_323 = arith.constant 0 : i32
    %dma_start3A_324 = tpu.memref_slice %arg4[%add3A_320, %dma_start3A_323] : memref<16384x1000xi32, #tpu.memory_space<hbm>> -> memref<16x1000xi32, #tpu.memory_space<hbm>>
    tpu.enqueue_dma source(%arg6 : memref<16x1000xi32, #tpu.memory_space<vmem>>) target(%dma_start3A_324 : memref<16x1000xi32, #tpu.memory_space<hbm>>) target_semaphore(%arg8 : memref<!tpu.dma_semaphore, #tpu.memory_space<semaphore_mem>>)
    %dma_wait3A_325 = arith.constant 0 : i32
    %dma_wait3A_326 = tpu.memref_slice %arg4[%add3A_300, %dma_wait3A_325] : memref<16384x1000xi32, #tpu.memory_space<hbm>> -> memref<16x1000xi32, #tpu.memory_space<hbm>>
    %dma_wait3A_327 = arith.constant 0 : i32
    %dma_wait3A_328 = tpu.memref_slice %arg4[%add3A_300, %dma_wait3A_327] : memref<16384x1000xi32, #tpu.memory_space<hbm>> -> memref<16x1000xi32, #tpu.memory_space<hbm>>
    tpu.wait_dma2 semaphore(%arg9 : memref<!tpu.dma_semaphore, #tpu.memory_space<semaphore_mem>>) src(%arg7 : memref<16x1000xi32, #tpu.memory_space<vmem>>) dst(%dma_wait3A_328 : memref<16x1000xi32, #tpu.memory_space<hbm>>)
    %add3A_329 = arith.constant 0 : i32
    %add3A_330 = vector.broadcast %add3A_329 : i32 to vector<16xi32>
    %add3A_331 = arith.addi %iota3A, %add3A_330 : vector<16xi32>
    %get3A_332 = arith.constant 240 : index
    %get3A_333 = tpu.vector_load %arg5[%get3A_332] {strides = array<i32>} : memref<512xi32, #tpu.memory_space<vmem>>, vector<16xi32>,
    tpu.vector_store_idx %arg7[%add3A_331, %get3A_333], %broadcast_in_dim3A_5 : memref<16x1000xi32, #tpu.memory_space<vmem>>[vector<16xi32>, vector<16xi32>], vector<16xi32>,
    %add3A_334 = arith.constant 0 : i32
    %add3A_335 = vector.broadcast %add3A_334 : i32 to vector<16xi32>
    %add3A_336 = arith.addi %iota3A, %add3A_335 : vector<16xi32>
    %get3A_337 = arith.constant 272 : index
    %get3A_338 = tpu.vector_load %arg5[%get3A_337] {strides = array<i32>} : memref<512xi32, #tpu.memory_space<vmem>>, vector<16xi32>,
    tpu.vector_store_idx %arg7[%add3A_336, %get3A_338], %broadcast_in_dim3A_3 : memref<16x1000xi32, #tpu.memory_space<vmem>>[vector<16xi32>, vector<16xi32>], vector<16xi32>,
    %add3A_339 = arith.constant 272 : i32
    %add3A_340 = arith.addi %mul3A_2, %add3A_339 : i32
    %dma_start3A_341 = arith.constant 0 : i32
    %dma_start3A_342 = tpu.memref_slice %arg4[%add3A_340, %dma_start3A_341] : memref<16384x1000xi32, #tpu.memory_space<hbm>> -> memref<16x1000xi32, #tpu.memory_space<hbm>>
    %dma_start3A_343 = arith.constant 0 : i32
    %dma_start3A_344 = tpu.memref_slice %arg4[%add3A_340, %dma_start3A_343] : memref<16384x1000xi32, #tpu.memory_space<hbm>> -> memref<16x1000xi32, #tpu.memory_space<hbm>>
    tpu.enqueue_dma source(%arg7 : memref<16x1000xi32, #tpu.memory_space<vmem>>) target(%dma_start3A_344 : memref<16x1000xi32, #tpu.memory_space<hbm>>) target_semaphore(%arg9 : memref<!tpu.dma_semaphore, #tpu.memory_space<semaphore_mem>>)
    %dma_wait3A_345 = arith.constant 0 : i32
    %dma_wait3A_346 = tpu.memref_slice %arg4[%add3A_320, %dma_wait3A_345] : memref<16384x1000xi32, #tpu.memory_space<hbm>> -> memref<16x1000xi32, #tpu.memory_space<hbm>>
    %dma_wait3A_347 = arith.constant 0 : i32
    %dma_wait3A_348 = tpu.memref_slice %arg4[%add3A_320, %dma_wait3A_347] : memref<16384x1000xi32, #tpu.memory_space<hbm>> -> memref<16x1000xi32, #tpu.memory_space<hbm>>
    tpu.wait_dma2 semaphore(%arg8 : memref<!tpu.dma_semaphore, #tpu.memory_space<semaphore_mem>>) src(%arg6 : memref<16x1000xi32, #tpu.memory_space<vmem>>) dst(%dma_wait3A_348 : memref<16x1000xi32, #tpu.memory_space<hbm>>)
    %add3A_349 = arith.constant 0 : i32
    %add3A_350 = vector.broadcast %add3A_349 : i32 to vector<16xi32>
    %add3A_351 = arith.addi %iota3A, %add3A_350 : vector<16xi32>
    %get3A_352 = arith.constant 256 : index
    %get3A_353 = tpu.vector_load %arg5[%get3A_352] {strides = array<i32>} : memref<512xi32, #tpu.memory_space<vmem>>, vector<16xi32>,
    tpu.vector_store_idx %arg6[%add3A_351, %get3A_353], %broadcast_in_dim3A_5 : memref<16x1000xi32, #tpu.memory_space<vmem>>[vector<16xi32>, vector<16xi32>], vector<16xi32>,
    %add3A_354 = arith.constant 0 : i32
    %add3A_355 = vector.broadcast %add3A_354 : i32 to vector<16xi32>
    %add3A_356 = arith.addi %iota3A, %add3A_355 : vector<16xi32>
    %get3A_357 = arith.constant 288 : index
    %get3A_358 = tpu.vector_load %arg5[%get3A_357] {strides = array<i32>} : memref<512xi32, #tpu.memory_space<vmem>>, vector<16xi32>,
    tpu.vector_store_idx %arg6[%add3A_356, %get3A_358], %broadcast_in_dim3A_3 : memref<16x1000xi32, #tpu.memory_space<vmem>>[vector<16xi32>, vector<16xi32>], vector<16xi32>,
    %add3A_359 = arith.constant 288 : i32
    %add3A_360 = arith.addi %mul3A_2, %add3A_359 : i32
    %dma_start3A_361 = arith.constant 0 : i32
    %dma_start3A_362 = tpu.memref_slice %arg4[%add3A_360, %dma_start3A_361] : memref<16384x1000xi32, #tpu.memory_space<hbm>> -> memref<16x1000xi32, #tpu.memory_space<hbm>>
    %dma_start3A_363 = arith.constant 0 : i32
    %dma_start3A_364 = tpu.memref_slice %arg4[%add3A_360, %dma_start3A_363] : memref<16384x1000xi32, #tpu.memory_space<hbm>> -> memref<16x1000xi32, #tpu.memory_space<hbm>>
    tpu.enqueue_dma source(%arg6 : memref<16x1000xi32, #tpu.memory_space<vmem>>) target(%dma_start3A_364 : memref<16x1000xi32, #tpu.memory_space<hbm>>) target_semaphore(%arg8 : memref<!tpu.dma_semaphore, #tpu.memory_space<semaphore_mem>>)
    %dma_wait3A_365 = arith.constant 0 : i32
    %dma_wait3A_366 = tpu.memref_slice %arg4[%add3A_340, %dma_wait3A_365] : memref<16384x1000xi32, #tpu.memory_space<hbm>> -> memref<16x1000xi32, #tpu.memory_space<hbm>>
    %dma_wait3A_367 = arith.constant 0 : i32
    %dma_wait3A_368 = tpu.memref_slice %arg4[%add3A_340, %dma_wait3A_367] : memref<16384x1000xi32, #tpu.memory_space<hbm>> -> memref<16x1000xi32, #tpu.memory_space<hbm>>
    tpu.wait_dma2 semaphore(%arg9 : memref<!tpu.dma_semaphore, #tpu.memory_space<semaphore_mem>>) src(%arg7 : memref<16x1000xi32, #tpu.memory_space<vmem>>) dst(%dma_wait3A_368 : memref<16x1000xi32, #tpu.memory_space<hbm>>)
    %add3A_369 = arith.constant 0 : i32
    %add3A_370 = vector.broadcast %add3A_369 : i32 to vector<16xi32>
    %add3A_371 = arith.addi %iota3A, %add3A_370 : vector<16xi32>
    %get3A_372 = arith.constant 272 : index
    %get3A_373 = tpu.vector_load %arg5[%get3A_372] {strides = array<i32>} : memref<512xi32, #tpu.memory_space<vmem>>, vector<16xi32>,
    tpu.vector_store_idx %arg7[%add3A_371, %get3A_373], %broadcast_in_dim3A_5 : memref<16x1000xi32, #tpu.memory_space<vmem>>[vector<16xi32>, vector<16xi32>], vector<16xi32>,
    %add3A_374 = arith.constant 0 : i32
    %add3A_375 = vector.broadcast %add3A_374 : i32 to vector<16xi32>
    %add3A_376 = arith.addi %iota3A, %add3A_375 : vector<16xi32>
    %get3A_377 = arith.constant 304 : index
    %get3A_378 = tpu.vector_load %arg5[%get3A_377] {strides = array<i32>} : memref<512xi32, #tpu.memory_space<vmem>>, vector<16xi32>,
    tpu.vector_store_idx %arg7[%add3A_376, %get3A_378], %broadcast_in_dim3A_3 : memref<16x1000xi32, #tpu.memory_space<vmem>>[vector<16xi32>, vector<16xi32>], vector<16xi32>,
    %add3A_379 = arith.constant 304 : i32
    %add3A_380 = arith.addi %mul3A_2, %add3A_379 : i32
    %dma_start3A_381 = arith.constant 0 : i32
    %dma_start3A_382 = tpu.memref_slice %arg4[%add3A_380, %dma_start3A_381] : memref<16384x1000xi32, #tpu.memory_space<hbm>> -> memref<16x1000xi32, #tpu.memory_space<hbm>>
    %dma_start3A_383 = arith.constant 0 : i32
    %dma_start3A_384 = tpu.memref_slice %arg4[%add3A_380, %dma_start3A_383] : memref<16384x1000xi32, #tpu.memory_space<hbm>> -> memref<16x1000xi32, #tpu.memory_space<hbm>>
    tpu.enqueue_dma source(%arg7 : memref<16x1000xi32, #tpu.memory_space<vmem>>) target(%dma_start3A_384 : memref<16x1000xi32, #tpu.memory_space<hbm>>) target_semaphore(%arg9 : memref<!tpu.dma_semaphore, #tpu.memory_space<semaphore_mem>>)
    %dma_wait3A_385 = arith.constant 0 : i32
    %dma_wait3A_386 = tpu.memref_slice %arg4[%add3A_360, %dma_wait3A_385] : memref<16384x1000xi32, #tpu.memory_space<hbm>> -> memref<16x1000xi32, #tpu.memory_space<hbm>>
    %dma_wait3A_387 = arith.constant 0 : i32
    %dma_wait3A_388 = tpu.memref_slice %arg4[%add3A_360, %dma_wait3A_387] : memref<16384x1000xi32, #tpu.memory_space<hbm>> -> memref<16x1000xi32, #tpu.memory_space<hbm>>
    tpu.wait_dma2 semaphore(%arg8 : memref<!tpu.dma_semaphore, #tpu.memory_space<semaphore_mem>>) src(%arg6 : memref<16x1000xi32, #tpu.memory_space<vmem>>) dst(%dma_wait3A_388 : memref<16x1000xi32, #tpu.memory_space<hbm>>)
    %add3A_389 = arith.constant 0 : i32
    %add3A_390 = vector.broadcast %add3A_389 : i32 to vector<16xi32>
    %add3A_391 = arith.addi %iota3A, %add3A_390 : vector<16xi32>
    %get3A_392 = arith.constant 288 : index
    %get3A_393 = tpu.vector_load %arg5[%get3A_392] {strides = array<i32>} : memref<512xi32, #tpu.memory_space<vmem>>, vector<16xi32>,
    tpu.vector_store_idx %arg6[%add3A_391, %get3A_393], %broadcast_in_dim3A_5 : memref<16x1000xi32, #tpu.memory_space<vmem>>[vector<16xi32>, vector<16xi32>], vector<16xi32>,
    %add3A_394 = arith.constant 0 : i32
    %add3A_395 = vector.broadcast %add3A_394 : i32 to vector<16xi32>
    %add3A_396 = arith.addi %iota3A, %add3A_395 : vector<16xi32>
    %get3A_397 = arith.constant 320 : index
    %get3A_398 = tpu.vector_load %arg5[%get3A_397] {strides = array<i32>} : memref<512xi32, #tpu.memory_space<vmem>>, vector<16xi32>,
    tpu.vector_store_idx %arg6[%add3A_396, %get3A_398], %broadcast_in_dim3A_3 : memref<16x1000xi32, #tpu.memory_space<vmem>>[vector<16xi32>, vector<16xi32>], vector<16xi32>,
    %add3A_399 = arith.constant 320 : i32
    %add3A_400 = arith.addi %mul3A_2, %add3A_399 : i32
    %dma_start3A_401 = arith.constant 0 : i32
    %dma_start3A_402 = tpu.memref_slice %arg4[%add3A_400, %dma_start3A_401] : memref<16384x1000xi32, #tpu.memory_space<hbm>> -> memref<16x1000xi32, #tpu.memory_space<hbm>>
    %dma_start3A_403 = arith.constant 0 : i32
    %dma_start3A_404 = tpu.memref_slice %arg4[%add3A_400, %dma_start3A_403] : memref<16384x1000xi32, #tpu.memory_space<hbm>> -> memref<16x1000xi32, #tpu.memory_space<hbm>>
    tpu.enqueue_dma source(%arg6 : memref<16x1000xi32, #tpu.memory_space<vmem>>) target(%dma_start3A_404 : memref<16x1000xi32, #tpu.memory_space<hbm>>) target_semaphore(%arg8 : memref<!tpu.dma_semaphore, #tpu.memory_space<semaphore_mem>>)
    %dma_wait3A_405 = arith.constant 0 : i32
    %dma_wait3A_406 = tpu.memref_slice %arg4[%add3A_380, %dma_wait3A_405] : memref<16384x1000xi32, #tpu.memory_space<hbm>> -> memref<16x1000xi32, #tpu.memory_space<hbm>>
    %dma_wait3A_407 = arith.constant 0 : i32
    %dma_wait3A_408 = tpu.memref_slice %arg4[%add3A_380, %dma_wait3A_407] : memref<16384x1000xi32, #tpu.memory_space<hbm>> -> memref<16x1000xi32, #tpu.memory_space<hbm>>
    tpu.wait_dma2 semaphore(%arg9 : memref<!tpu.dma_semaphore, #tpu.memory_space<semaphore_mem>>) src(%arg7 : memref<16x1000xi32, #tpu.memory_space<vmem>>) dst(%dma_wait3A_408 : memref<16x1000xi32, #tpu.memory_space<hbm>>)
    %add3A_409 = arith.constant 0 : i32
    %add3A_410 = vector.broadcast %add3A_409 : i32 to vector<16xi32>
    %add3A_411 = arith.addi %iota3A, %add3A_410 : vector<16xi32>
    %get3A_412 = arith.constant 304 : index
    %get3A_413 = tpu.vector_load %arg5[%get3A_412] {strides = array<i32>} : memref<512xi32, #tpu.memory_space<vmem>>, vector<16xi32>,
    tpu.vector_store_idx %arg7[%add3A_411, %get3A_413], %broadcast_in_dim3A_5 : memref<16x1000xi32, #tpu.memory_space<vmem>>[vector<16xi32>, vector<16xi32>], vector<16xi32>,
    %add3A_414 = arith.constant 0 : i32
    %add3A_415 = vector.broadcast %add3A_414 : i32 to vector<16xi32>
    %add3A_416 = arith.addi %iota3A, %add3A_415 : vector<16xi32>
    %get3A_417 = arith.constant 336 : index
    %get3A_418 = tpu.vector_load %arg5[%get3A_417] {strides = array<i32>} : memref<512xi32, #tpu.memory_space<vmem>>, vector<16xi32>,
    tpu.vector_store_idx %arg7[%add3A_416, %get3A_418], %broadcast_in_dim3A_3 : memref<16x1000xi32, #tpu.memory_space<vmem>>[vector<16xi32>, vector<16xi32>], vector<16xi32>,
    %add3A_419 = arith.constant 336 : i32
    %add3A_420 = arith.addi %mul3A_2, %add3A_419 : i32
    %dma_start3A_421 = arith.constant 0 : i32
    %dma_start3A_422 = tpu.memref_slice %arg4[%add3A_420, %dma_start3A_421] : memref<16384x1000xi32, #tpu.memory_space<hbm>> -> memref<16x1000xi32, #tpu.memory_space<hbm>>
    %dma_start3A_423 = arith.constant 0 : i32
    %dma_start3A_424 = tpu.memref_slice %arg4[%add3A_420, %dma_start3A_423] : memref<16384x1000xi32, #tpu.memory_space<hbm>> -> memref<16x1000xi32, #tpu.memory_space<hbm>>
    tpu.enqueue_dma source(%arg7 : memref<16x1000xi32, #tpu.memory_space<vmem>>) target(%dma_start3A_424 : memref<16x1000xi32, #tpu.memory_space<hbm>>) target_semaphore(%arg9 : memref<!tpu.dma_semaphore, #tpu.memory_space<semaphore_mem>>)
    %dma_wait3A_425 = arith.constant 0 : i32
    %dma_wait3A_426 = tpu.memref_slice %arg4[%add3A_400, %dma_wait3A_425] : memref<16384x1000xi32, #tpu.memory_space<hbm>> -> memref<16x1000xi32, #tpu.memory_space<hbm>>
    %dma_wait3A_427 = arith.constant 0 : i32
    %dma_wait3A_428 = tpu.memref_slice %arg4[%add3A_400, %dma_wait3A_427] : memref<16384x1000xi32, #tpu.memory_space<hbm>> -> memref<16x1000xi32, #tpu.memory_space<hbm>>
    tpu.wait_dma2 semaphore(%arg8 : memref<!tpu.dma_semaphore, #tpu.memory_space<semaphore_mem>>) src(%arg6 : memref<16x1000xi32, #tpu.memory_space<vmem>>) dst(%dma_wait3A_428 : memref<16x1000xi32, #tpu.memory_space<hbm>>)
    %add3A_429 = arith.constant 0 : i32
    %add3A_430 = vector.broadcast %add3A_429 : i32 to vector<16xi32>
    %add3A_431 = arith.addi %iota3A, %add3A_430 : vector<16xi32>
    %get3A_432 = arith.constant 320 : index
    %get3A_433 = tpu.vector_load %arg5[%get3A_432] {strides = array<i32>} : memref<512xi32, #tpu.memory_space<vmem>>, vector<16xi32>,
    tpu.vector_store_idx %arg6[%add3A_431, %get3A_433], %broadcast_in_dim3A_5 : memref<16x1000xi32, #tpu.memory_space<vmem>>[vector<16xi32>, vector<16xi32>], vector<16xi32>,
    %add3A_434 = arith.constant 0 : i32
    %add3A_435 = vector.broadcast %add3A_434 : i32 to vector<16xi32>
    %add3A_436 = arith.addi %iota3A, %add3A_435 : vector<16xi32>
    %get3A_437 = arith.constant 352 : index
    %get3A_438 = tpu.vector_load %arg5[%get3A_437] {strides = array<i32>} : memref<512xi32, #tpu.memory_space<vmem>>, vector<16xi32>,
    tpu.vector_store_idx %arg6[%add3A_436, %get3A_438], %broadcast_in_dim3A_3 : memref<16x1000xi32, #tpu.memory_space<vmem>>[vector<16xi32>, vector<16xi32>], vector<16xi32>,
    %add3A_439 = arith.constant 352 : i32
    %add3A_440 = arith.addi %mul3A_2, %add3A_439 : i32
    %dma_start3A_441 = arith.constant 0 : i32
    %dma_start3A_442 = tpu.memref_slice %arg4[%add3A_440, %dma_start3A_441] : memref<16384x1000xi32, #tpu.memory_space<hbm>> -> memref<16x1000xi32, #tpu.memory_space<hbm>>
    %dma_start3A_443 = arith.constant 0 : i32
    %dma_start3A_444 = tpu.memref_slice %arg4[%add3A_440, %dma_start3A_443] : memref<16384x1000xi32, #tpu.memory_space<hbm>> -> memref<16x1000xi32, #tpu.memory_space<hbm>>
    tpu.enqueue_dma source(%arg6 : memref<16x1000xi32, #tpu.memory_space<vmem>>) target(%dma_start3A_444 : memref<16x1000xi32, #tpu.memory_space<hbm>>) target_semaphore(%arg8 : memref<!tpu.dma_semaphore, #tpu.memory_space<semaphore_mem>>)
    %dma_wait3A_445 = arith.constant 0 : i32
    %dma_wait3A_446 = tpu.memref_slice %arg4[%add3A_420, %dma_wait3A_445] : memref<16384x1000xi32, #tpu.memory_space<hbm>> -> memref<16x1000xi32, #tpu.memory_space<hbm>>
    %dma_wait3A_447 = arith.constant 0 : i32
    %dma_wait3A_448 = tpu.memref_slice %arg4[%add3A_420, %dma_wait3A_447] : memref<16384x1000xi32, #tpu.memory_space<hbm>> -> memref<16x1000xi32, #tpu.memory_space<hbm>>
    tpu.wait_dma2 semaphore(%arg9 : memref<!tpu.dma_semaphore, #tpu.memory_space<semaphore_mem>>) src(%arg7 : memref<16x1000xi32, #tpu.memory_space<vmem>>) dst(%dma_wait3A_448 : memref<16x1000xi32, #tpu.memory_space<hbm>>)
    %add3A_449 = arith.constant 0 : i32
    %add3A_450 = vector.broadcast %add3A_449 : i32 to vector<16xi32>
    %add3A_451 = arith.addi %iota3A, %add3A_450 : vector<16xi32>
    %get3A_452 = arith.constant 336 : index
    %get3A_453 = tpu.vector_load %arg5[%get3A_452] {strides = array<i32>} : memref<512xi32, #tpu.memory_space<vmem>>, vector<16xi32>,
    tpu.vector_store_idx %arg7[%add3A_451, %get3A_453], %broadcast_in_dim3A_5 : memref<16x1000xi32, #tpu.memory_space<vmem>>[vector<16xi32>, vector<16xi32>], vector<16xi32>,
    %add3A_454 = arith.constant 0 : i32
    %add3A_455 = vector.broadcast %add3A_454 : i32 to vector<16xi32>
    %add3A_456 = arith.addi %iota3A, %add3A_455 : vector<16xi32>
    %get3A_457 = arith.constant 368 : index
    %get3A_458 = tpu.vector_load %arg5[%get3A_457] {strides = array<i32>} : memref<512xi32, #tpu.memory_space<vmem>>, vector<16xi32>,
    tpu.vector_store_idx %arg7[%add3A_456, %get3A_458], %broadcast_in_dim3A_3 : memref<16x1000xi32, #tpu.memory_space<vmem>>[vector<16xi32>, vector<16xi32>], vector<16xi32>,
    %add3A_459 = arith.constant 368 : i32
    %add3A_460 = arith.addi %mul3A_2, %add3A_459 : i32
    %dma_start3A_461 = arith.constant 0 : i32
    %dma_start3A_462 = tpu.memref_slice %arg4[%add3A_460, %dma_start3A_461] : memref<16384x1000xi32, #tpu.memory_space<hbm>> -> memref<16x1000xi32, #tpu.memory_space<hbm>>
    %dma_start3A_463 = arith.constant 0 : i32
    %dma_start3A_464 = tpu.memref_slice %arg4[%add3A_460, %dma_start3A_463] : memref<16384x1000xi32, #tpu.memory_space<hbm>> -> memref<16x1000xi32, #tpu.memory_space<hbm>>
    tpu.enqueue_dma source(%arg7 : memref<16x1000xi32, #tpu.memory_space<vmem>>) target(%dma_start3A_464 : memref<16x1000xi32, #tpu.memory_space<hbm>>) target_semaphore(%arg9 : memref<!tpu.dma_semaphore, #tpu.memory_space<semaphore_mem>>)
    %dma_wait3A_465 = arith.constant 0 : i32
    %dma_wait3A_466 = tpu.memref_slice %arg4[%add3A_440, %dma_wait3A_465] : memref<16384x1000xi32, #tpu.memory_space<hbm>> -> memref<16x1000xi32, #tpu.memory_space<hbm>>
    %dma_wait3A_467 = arith.constant 0 : i32
    %dma_wait3A_468 = tpu.memref_slice %arg4[%add3A_440, %dma_wait3A_467] : memref<16384x1000xi32, #tpu.memory_space<hbm>> -> memref<16x1000xi32, #tpu.memory_space<hbm>>
    tpu.wait_dma2 semaphore(%arg8 : memref<!tpu.dma_semaphore, #tpu.memory_space<semaphore_mem>>) src(%arg6 : memref<16x1000xi32, #tpu.memory_space<vmem>>) dst(%dma_wait3A_468 : memref<16x1000xi32, #tpu.memory_space<hbm>>)
    %add3A_469 = arith.constant 0 : i32
    %add3A_470 = vector.broadcast %add3A_469 : i32 to vector<16xi32>
    %add3A_471 = arith.addi %iota3A, %add3A_470 : vector<16xi32>
    %get3A_472 = arith.constant 352 : index
    %get3A_473 = tpu.vector_load %arg5[%get3A_472] {strides = array<i32>} : memref<512xi32, #tpu.memory_space<vmem>>, vector<16xi32>,
    tpu.vector_store_idx %arg6[%add3A_471, %get3A_473], %broadcast_in_dim3A_5 : memref<16x1000xi32, #tpu.memory_space<vmem>>[vector<16xi32>, vector<16xi32>], vector<16xi32>,
    %add3A_474 = arith.constant 0 : i32
    %add3A_475 = vector.broadcast %add3A_474 : i32 to vector<16xi32>
    %add3A_476 = arith.addi %iota3A, %add3A_475 : vector<16xi32>
    %get3A_477 = arith.constant 384 : index
    %get3A_478 = tpu.vector_load %arg5[%get3A_477] {strides = array<i32>} : memref<512xi32, #tpu.memory_space<vmem>>, vector<16xi32>,
    tpu.vector_store_idx %arg6[%add3A_476, %get3A_478], %broadcast_in_dim3A_3 : memref<16x1000xi32, #tpu.memory_space<vmem>>[vector<16xi32>, vector<16xi32>], vector<16xi32>,
    %add3A_479 = arith.constant 384 : i32
    %add3A_480 = arith.addi %mul3A_2, %add3A_479 : i32
    %dma_start3A_481 = arith.constant 0 : i32
    %dma_start3A_482 = tpu.memref_slice %arg4[%add3A_480, %dma_start3A_481] : memref<16384x1000xi32, #tpu.memory_space<hbm>> -> memref<16x1000xi32, #tpu.memory_space<hbm>>
    %dma_start3A_483 = arith.constant 0 : i32
    %dma_start3A_484 = tpu.memref_slice %arg4[%add3A_480, %dma_start3A_483] : memref<16384x1000xi32, #tpu.memory_space<hbm>> -> memref<16x1000xi32, #tpu.memory_space<hbm>>
    tpu.enqueue_dma source(%arg6 : memref<16x1000xi32, #tpu.memory_space<vmem>>) target(%dma_start3A_484 : memref<16x1000xi32, #tpu.memory_space<hbm>>) target_semaphore(%arg8 : memref<!tpu.dma_semaphore, #tpu.memory_space<semaphore_mem>>)
    %dma_wait3A_485 = arith.constant 0 : i32
    %dma_wait3A_486 = tpu.memref_slice %arg4[%add3A_460, %dma_wait3A_485] : memref<16384x1000xi32, #tpu.memory_space<hbm>> -> memref<16x1000xi32, #tpu.memory_space<hbm>>
    %dma_wait3A_487 = arith.constant 0 : i32
    %dma_wait3A_488 = tpu.memref_slice %arg4[%add3A_460, %dma_wait3A_487] : memref<16384x1000xi32, #tpu.memory_space<hbm>> -> memref<16x1000xi32, #tpu.memory_space<hbm>>
    tpu.wait_dma2 semaphore(%arg9 : memref<!tpu.dma_semaphore, #tpu.memory_space<semaphore_mem>>) src(%arg7 : memref<16x1000xi32, #tpu.memory_space<vmem>>) dst(%dma_wait3A_488 : memref<16x1000xi32, #tpu.memory_space<hbm>>)
    %add3A_489 = arith.constant 0 : i32
    %add3A_490 = vector.broadcast %add3A_489 : i32 to vector<16xi32>
    %add3A_491 = arith.addi %iota3A, %add3A_490 : vector<16xi32>
    %get3A_492 = arith.constant 368 : index
    %get3A_493 = tpu.vector_load %arg5[%get3A_492] {strides = array<i32>} : memref<512xi32, #tpu.memory_space<vmem>>, vector<16xi32>,
    tpu.vector_store_idx %arg7[%add3A_491, %get3A_493], %broadcast_in_dim3A_5 : memref<16x1000xi32, #tpu.memory_space<vmem>>[vector<16xi32>, vector<16xi32>], vector<16xi32>,
    %add3A_494 = arith.constant 0 : i32
    %add3A_495 = vector.broadcast %add3A_494 : i32 to vector<16xi32>
    %add3A_496 = arith.addi %iota3A, %add3A_495 : vector<16xi32>
    %get3A_497 = arith.constant 400 : index
    %get3A_498 = tpu.vector_load %arg5[%get3A_497] {strides = array<i32>} : memref<512xi32, #tpu.memory_space<vmem>>, vector<16xi32>,
    tpu.vector_store_idx %arg7[%add3A_496, %get3A_498], %broadcast_in_dim3A_3 : memref<16x1000xi32, #tpu.memory_space<vmem>>[vector<16xi32>, vector<16xi32>], vector<16xi32>,
    %add3A_499 = arith.constant 400 : i32
    %add3A_500 = arith.addi %mul3A_2, %add3A_499 : i32
    %dma_start3A_501 = arith.constant 0 : i32
    %dma_start3A_502 = tpu.memref_slice %arg4[%add3A_500, %dma_start3A_501] : memref<16384x1000xi32, #tpu.memory_space<hbm>> -> memref<16x1000xi32, #tpu.memory_space<hbm>>
    %dma_start3A_503 = arith.constant 0 : i32
    %dma_start3A_504 = tpu.memref_slice %arg4[%add3A_500, %dma_start3A_503] : memref<16384x1000xi32, #tpu.memory_space<hbm>> -> memref<16x1000xi32, #tpu.memory_space<hbm>>
    tpu.enqueue_dma source(%arg7 : memref<16x1000xi32, #tpu.memory_space<vmem>>) target(%dma_start3A_504 : memref<16x1000xi32, #tpu.memory_space<hbm>>) target_semaphore(%arg9 : memref<!tpu.dma_semaphore, #tpu.memory_space<semaphore_mem>>)
    %dma_wait3A_505 = arith.constant 0 : i32
    %dma_wait3A_506 = tpu.memref_slice %arg4[%add3A_480, %dma_wait3A_505] : memref<16384x1000xi32, #tpu.memory_space<hbm>> -> memref<16x1000xi32, #tpu.memory_space<hbm>>
    %dma_wait3A_507 = arith.constant 0 : i32
    %dma_wait3A_508 = tpu.memref_slice %arg4[%add3A_480, %dma_wait3A_507] : memref<16384x1000xi32, #tpu.memory_space<hbm>> -> memref<16x1000xi32, #tpu.memory_space<hbm>>
    tpu.wait_dma2 semaphore(%arg8 : memref<!tpu.dma_semaphore, #tpu.memory_space<semaphore_mem>>) src(%arg6 : memref<16x1000xi32, #tpu.memory_space<vmem>>) dst(%dma_wait3A_508 : memref<16x1000xi32, #tpu.memory_space<hbm>>)
    %add3A_509 = arith.constant 0 : i32
    %add3A_510 = vector.broadcast %add3A_509 : i32 to vector<16xi32>
    %add3A_511 = arith.addi %iota3A, %add3A_510 : vector<16xi32>
    %get3A_512 = arith.constant 384 : index
    %get3A_513 = tpu.vector_load %arg5[%get3A_512] {strides = array<i32>} : memref<512xi32, #tpu.memory_space<vmem>>, vector<16xi32>,
    tpu.vector_store_idx %arg6[%add3A_511, %get3A_513], %broadcast_in_dim3A_5 : memref<16x1000xi32, #tpu.memory_space<vmem>>[vector<16xi32>, vector<16xi32>], vector<16xi32>,
    %add3A_514 = arith.constant 0 : i32
    %add3A_515 = vector.broadcast %add3A_514 : i32 to vector<16xi32>
    %add3A_516 = arith.addi %iota3A, %add3A_515 : vector<16xi32>
    %get3A_517 = arith.constant 416 : index
    %get3A_518 = tpu.vector_load %arg5[%get3A_517] {strides = array<i32>} : memref<512xi32, #tpu.memory_space<vmem>>, vector<16xi32>,
    tpu.vector_store_idx %arg6[%add3A_516, %get3A_518], %broadcast_in_dim3A_3 : memref<16x1000xi32, #tpu.memory_space<vmem>>[vector<16xi32>, vector<16xi32>], vector<16xi32>,
    %add3A_519 = arith.constant 416 : i32
    %add3A_520 = arith.addi %mul3A_2, %add3A_519 : i32
    %dma_start3A_521 = arith.constant 0 : i32
    %dma_start3A_522 = tpu.memref_slice %arg4[%add3A_520, %dma_start3A_521] : memref<16384x1000xi32, #tpu.memory_space<hbm>> -> memref<16x1000xi32, #tpu.memory_space<hbm>>
    %dma_start3A_523 = arith.constant 0 : i32
    %dma_start3A_524 = tpu.memref_slice %arg4[%add3A_520, %dma_start3A_523] : memref<16384x1000xi32, #tpu.memory_space<hbm>> -> memref<16x1000xi32, #tpu.memory_space<hbm>>
    tpu.enqueue_dma source(%arg6 : memref<16x1000xi32, #tpu.memory_space<vmem>>) target(%dma_start3A_524 : memref<16x1000xi32, #tpu.memory_space<hbm>>) target_semaphore(%arg8 : memref<!tpu.dma_semaphore, #tpu.memory_space<semaphore_mem>>)
    %dma_wait3A_525 = arith.constant 0 : i32
    %dma_wait3A_526 = tpu.memref_slice %arg4[%add3A_500, %dma_wait3A_525] : memref<16384x1000xi32, #tpu.memory_space<hbm>> -> memref<16x1000xi32, #tpu.memory_space<hbm>>
    %dma_wait3A_527 = arith.constant 0 : i32
    %dma_wait3A_528 = tpu.memref_slice %arg4[%add3A_500, %dma_wait3A_527] : memref<16384x1000xi32, #tpu.memory_space<hbm>> -> memref<16x1000xi32, #tpu.memory_space<hbm>>
    tpu.wait_dma2 semaphore(%arg9 : memref<!tpu.dma_semaphore, #tpu.memory_space<semaphore_mem>>) src(%arg7 : memref<16x1000xi32, #tpu.memory_space<vmem>>) dst(%dma_wait3A_528 : memref<16x1000xi32, #tpu.memory_space<hbm>>)
    %add3A_529 = arith.constant 0 : i32
    %add3A_530 = vector.broadcast %add3A_529 : i32 to vector<16xi32>
    %add3A_531 = arith.addi %iota3A, %add3A_530 : vector<16xi32>
    %get3A_532 = arith.constant 400 : index
    %get3A_533 = tpu.vector_load %arg5[%get3A_532] {strides = array<i32>} : memref<512xi32, #tpu.memory_space<vmem>>, vector<16xi32>,
    tpu.vector_store_idx %arg7[%add3A_531, %get3A_533], %broadcast_in_dim3A_5 : memref<16x1000xi32, #tpu.memory_space<vmem>>[vector<16xi32>, vector<16xi32>], vector<16xi32>,
    %add3A_534 = arith.constant 0 : i32
    %add3A_535 = vector.broadcast %add3A_534 : i32 to vector<16xi32>
    %add3A_536 = arith.addi %iota3A, %add3A_535 : vector<16xi32>
    %get3A_537 = arith.constant 432 : index
    %get3A_538 = tpu.vector_load %arg5[%get3A_537] {strides = array<i32>} : memref<512xi32, #tpu.memory_space<vmem>>, vector<16xi32>,
    tpu.vector_store_idx %arg7[%add3A_536, %get3A_538], %broadcast_in_dim3A_3 : memref<16x1000xi32, #tpu.memory_space<vmem>>[vector<16xi32>, vector<16xi32>], vector<16xi32>,
    %add3A_539 = arith.constant 432 : i32
    %add3A_540 = arith.addi %mul3A_2, %add3A_539 : i32
    %dma_start3A_541 = arith.constant 0 : i32
    %dma_start3A_542 = tpu.memref_slice %arg4[%add3A_540, %dma_start3A_541] : memref<16384x1000xi32, #tpu.memory_space<hbm>> -> memref<16x1000xi32, #tpu.memory_space<hbm>>
    %dma_start3A_543 = arith.constant 0 : i32
    %dma_start3A_544 = tpu.memref_slice %arg4[%add3A_540, %dma_start3A_543] : memref<16384x1000xi32, #tpu.memory_space<hbm>> -> memref<16x1000xi32, #tpu.memory_space<hbm>>
    tpu.enqueue_dma source(%arg7 : memref<16x1000xi32, #tpu.memory_space<vmem>>) target(%dma_start3A_544 : memref<16x1000xi32, #tpu.memory_space<hbm>>) target_semaphore(%arg9 : memref<!tpu.dma_semaphore, #tpu.memory_space<semaphore_mem>>)
    %dma_wait3A_545 = arith.constant 0 : i32
    %dma_wait3A_546 = tpu.memref_slice %arg4[%add3A_520, %dma_wait3A_545] : memref<16384x1000xi32, #tpu.memory_space<hbm>> -> memref<16x1000xi32, #tpu.memory_space<hbm>>
    %dma_wait3A_547 = arith.constant 0 : i32
    %dma_wait3A_548 = tpu.memref_slice %arg4[%add3A_520, %dma_wait3A_547] : memref<16384x1000xi32, #tpu.memory_space<hbm>> -> memref<16x1000xi32, #tpu.memory_space<hbm>>
    tpu.wait_dma2 semaphore(%arg8 : memref<!tpu.dma_semaphore, #tpu.memory_space<semaphore_mem>>) src(%arg6 : memref<16x1000xi32, #tpu.memory_space<vmem>>) dst(%dma_wait3A_548 : memref<16x1000xi32, #tpu.memory_space<hbm>>)
    %add3A_549 = arith.constant 0 : i32
    %add3A_550 = vector.broadcast %add3A_549 : i32 to vector<16xi32>
    %add3A_551 = arith.addi %iota3A, %add3A_550 : vector<16xi32>
    %get3A_552 = arith.constant 416 : index
    %get3A_553 = tpu.vector_load %arg5[%get3A_552] {strides = array<i32>} : memref<512xi32, #tpu.memory_space<vmem>>, vector<16xi32>,
    tpu.vector_store_idx %arg6[%add3A_551, %get3A_553], %broadcast_in_dim3A_5 : memref<16x1000xi32, #tpu.memory_space<vmem>>[vector<16xi32>, vector<16xi32>], vector<16xi32>,
    %add3A_554 = arith.constant 0 : i32
    %add3A_555 = vector.broadcast %add3A_554 : i32 to vector<16xi32>
    %add3A_556 = arith.addi %iota3A, %add3A_555 : vector<16xi32>
    %get3A_557 = arith.constant 448 : index
    %get3A_558 = tpu.vector_load %arg5[%get3A_557] {strides = array<i32>} : memref<512xi32, #tpu.memory_space<vmem>>, vector<16xi32>,
    tpu.vector_store_idx %arg6[%add3A_556, %get3A_558], %broadcast_in_dim3A_3 : memref<16x1000xi32, #tpu.memory_space<vmem>>[vector<16xi32>, vector<16xi32>], vector<16xi32>,
    %add3A_559 = arith.constant 448 : i32
    %add3A_560 = arith.addi %mul3A_2, %add3A_559 : i32
    %dma_start3A_561 = arith.constant 0 : i32
    %dma_start3A_562 = tpu.memref_slice %arg4[%add3A_560, %dma_start3A_561] : memref<16384x1000xi32, #tpu.memory_space<hbm>> -> memref<16x1000xi32, #tpu.memory_space<hbm>>
    %dma_start3A_563 = arith.constant 0 : i32
    %dma_start3A_564 = tpu.memref_slice %arg4[%add3A_560, %dma_start3A_563] : memref<16384x1000xi32, #tpu.memory_space<hbm>> -> memref<16x1000xi32, #tpu.memory_space<hbm>>
    tpu.enqueue_dma source(%arg6 : memref<16x1000xi32, #tpu.memory_space<vmem>>) target(%dma_start3A_564 : memref<16x1000xi32, #tpu.memory_space<hbm>>) target_semaphore(%arg8 : memref<!tpu.dma_semaphore, #tpu.memory_space<semaphore_mem>>)
    %dma_wait3A_565 = arith.constant 0 : i32
    %dma_wait3A_566 = tpu.memref_slice %arg4[%add3A_540, %dma_wait3A_565] : memref<16384x1000xi32, #tpu.memory_space<hbm>> -> memref<16x1000xi32, #tpu.memory_space<hbm>>
    %dma_wait3A_567 = arith.constant 0 : i32
    %dma_wait3A_568 = tpu.memref_slice %arg4[%add3A_540, %dma_wait3A_567] : memref<16384x1000xi32, #tpu.memory_space<hbm>> -> memref<16x1000xi32, #tpu.memory_space<hbm>>
    tpu.wait_dma2 semaphore(%arg9 : memref<!tpu.dma_semaphore, #tpu.memory_space<semaphore_mem>>) src(%arg7 : memref<16x1000xi32, #tpu.memory_space<vmem>>) dst(%dma_wait3A_568 : memref<16x1000xi32, #tpu.memory_space<hbm>>)
    %add3A_569 = arith.constant 0 : i32
    %add3A_570 = vector.broadcast %add3A_569 : i32 to vector<16xi32>
    %add3A_571 = arith.addi %iota3A, %add3A_570 : vector<16xi32>
    %get3A_572 = arith.constant 432 : index
    %get3A_573 = tpu.vector_load %arg5[%get3A_572] {strides = array<i32>} : memref<512xi32, #tpu.memory_space<vmem>>, vector<16xi32>,
    tpu.vector_store_idx %arg7[%add3A_571, %get3A_573], %broadcast_in_dim3A_5 : memref<16x1000xi32, #tpu.memory_space<vmem>>[vector<16xi32>, vector<16xi32>], vector<16xi32>,
    %add3A_574 = arith.constant 0 : i32
    %add3A_575 = vector.broadcast %add3A_574 : i32 to vector<16xi32>
    %add3A_576 = arith.addi %iota3A, %add3A_575 : vector<16xi32>
    %get3A_577 = arith.constant 464 : index
    %get3A_578 = tpu.vector_load %arg5[%get3A_577] {strides = array<i32>} : memref<512xi32, #tpu.memory_space<vmem>>, vector<16xi32>,
    tpu.vector_store_idx %arg7[%add3A_576, %get3A_578], %broadcast_in_dim3A_3 : memref<16x1000xi32, #tpu.memory_space<vmem>>[vector<16xi32>, vector<16xi32>], vector<16xi32>,
    %add3A_579 = arith.constant 464 : i32
    %add3A_580 = arith.addi %mul3A_2, %add3A_579 : i32
    %dma_start3A_581 = arith.constant 0 : i32
    %dma_start3A_582 = tpu.memref_slice %arg4[%add3A_580, %dma_start3A_581] : memref<16384x1000xi32, #tpu.memory_space<hbm>> -> memref<16x1000xi32, #tpu.memory_space<hbm>>
    %dma_start3A_583 = arith.constant 0 : i32
    %dma_start3A_584 = tpu.memref_slice %arg4[%add3A_580, %dma_start3A_583] : memref<16384x1000xi32, #tpu.memory_space<hbm>> -> memref<16x1000xi32, #tpu.memory_space<hbm>>
    tpu.enqueue_dma source(%arg7 : memref<16x1000xi32, #tpu.memory_space<vmem>>) target(%dma_start3A_584 : memref<16x1000xi32, #tpu.memory_space<hbm>>) target_semaphore(%arg9 : memref<!tpu.dma_semaphore, #tpu.memory_space<semaphore_mem>>)
    %dma_wait3A_585 = arith.constant 0 : i32
    %dma_wait3A_586 = tpu.memref_slice %arg4[%add3A_560, %dma_wait3A_585] : memref<16384x1000xi32, #tpu.memory_space<hbm>> -> memref<16x1000xi32, #tpu.memory_space<hbm>>
    %dma_wait3A_587 = arith.constant 0 : i32
    %dma_wait3A_588 = tpu.memref_slice %arg4[%add3A_560, %dma_wait3A_587] : memref<16384x1000xi32, #tpu.memory_space<hbm>> -> memref<16x1000xi32, #tpu.memory_space<hbm>>
    tpu.wait_dma2 semaphore(%arg8 : memref<!tpu.dma_semaphore, #tpu.memory_space<semaphore_mem>>) src(%arg6 : memref<16x1000xi32, #tpu.memory_space<vmem>>) dst(%dma_wait3A_588 : memref<16x1000xi32, #tpu.memory_space<hbm>>)
    %add3A_589 = arith.constant 0 : i32
    %add3A_590 = vector.broadcast %add3A_589 : i32 to vector<16xi32>
    %add3A_591 = arith.addi %iota3A, %add3A_590 : vector<16xi32>
    %get3A_592 = arith.constant 448 : index
    %get3A_593 = tpu.vector_load %arg5[%get3A_592] {strides = array<i32>} : memref<512xi32, #tpu.memory_space<vmem>>, vector<16xi32>,
    tpu.vector_store_idx %arg6[%add3A_591, %get3A_593], %broadcast_in_dim3A_5 : memref<16x1000xi32, #tpu.memory_space<vmem>>[vector<16xi32>, vector<16xi32>], vector<16xi32>,
    %add3A_594 = arith.constant 0 : i32
    %add3A_595 = vector.broadcast %add3A_594 : i32 to vector<16xi32>
    %add3A_596 = arith.addi %iota3A, %add3A_595 : vector<16xi32>
    %get3A_597 = arith.constant 480 : index
    %get3A_598 = tpu.vector_load %arg5[%get3A_597] {strides = array<i32>} : memref<512xi32, #tpu.memory_space<vmem>>, vector<16xi32>,
    tpu.vector_store_idx %arg6[%add3A_596, %get3A_598], %broadcast_in_dim3A_3 : memref<16x1000xi32, #tpu.memory_space<vmem>>[vector<16xi32>, vector<16xi32>], vector<16xi32>,
    %add3A_599 = arith.constant 480 : i32
    %add3A_600 = arith.addi %mul3A_2, %add3A_599 : i32
    %dma_start3A_601 = arith.constant 0 : i32
    %dma_start3A_602 = tpu.memref_slice %arg4[%add3A_600, %dma_start3A_601] : memref<16384x1000xi32, #tpu.memory_space<hbm>> -> memref<16x1000xi32, #tpu.memory_space<hbm>>
    %dma_start3A_603 = arith.constant 0 : i32
    %dma_start3A_604 = tpu.memref_slice %arg4[%add3A_600, %dma_start3A_603] : memref<16384x1000xi32, #tpu.memory_space<hbm>> -> memref<16x1000xi32, #tpu.memory_space<hbm>>
    tpu.enqueue_dma source(%arg6 : memref<16x1000xi32, #tpu.memory_space<vmem>>) target(%dma_start3A_604 : memref<16x1000xi32, #tpu.memory_space<hbm>>) target_semaphore(%arg8 : memref<!tpu.dma_semaphore, #tpu.memory_space<semaphore_mem>>)
    %dma_wait3A_605 = arith.constant 0 : i32
    %dma_wait3A_606 = tpu.memref_slice %arg4[%add3A_580, %dma_wait3A_605] : memref<16384x1000xi32, #tpu.memory_space<hbm>> -> memref<16x1000xi32, #tpu.memory_space<hbm>>
    %dma_wait3A_607 = arith.constant 0 : i32
    %dma_wait3A_608 = tpu.memref_slice %arg4[%add3A_580, %dma_wait3A_607] : memref<16384x1000xi32, #tpu.memory_space<hbm>> -> memref<16x1000xi32, #tpu.memory_space<hbm>>
    tpu.wait_dma2 semaphore(%arg9 : memref<!tpu.dma_semaphore, #tpu.memory_space<semaphore_mem>>) src(%arg7 : memref<16x1000xi32, #tpu.memory_space<vmem>>) dst(%dma_wait3A_608 : memref<16x1000xi32, #tpu.memory_space<hbm>>)
    %add3A_609 = arith.constant 0 : i32
    %add3A_610 = vector.broadcast %add3A_609 : i32 to vector<16xi32>
    %add3A_611 = arith.addi %iota3A, %add3A_610 : vector<16xi32>
    %get3A_612 = arith.constant 464 : index
    %get3A_613 = tpu.vector_load %arg5[%get3A_612] {strides = array<i32>} : memref<512xi32, #tpu.memory_space<vmem>>, vector<16xi32>,
    tpu.vector_store_idx %arg7[%add3A_611, %get3A_613], %broadcast_in_dim3A_5 : memref<16x1000xi32, #tpu.memory_space<vmem>>[vector<16xi32>, vector<16xi32>], vector<16xi32>,
    %add3A_614 = arith.constant 0 : i32
    %add3A_615 = vector.broadcast %add3A_614 : i32 to vector<16xi32>
    %add3A_616 = arith.addi %iota3A, %add3A_615 : vector<16xi32>
    %get3A_617 = arith.constant 496 : index
    %get3A_618 = tpu.vector_load %arg5[%get3A_617] {strides = array<i32>} : memref<512xi32, #tpu.memory_space<vmem>>, vector<16xi32>,
    tpu.vector_store_idx %arg7[%add3A_616, %get3A_618], %broadcast_in_dim3A_3 : memref<16x1000xi32, #tpu.memory_space<vmem>>[vector<16xi32>, vector<16xi32>], vector<16xi32>,
    %add3A_619 = arith.constant 496 : i32
    %add3A_620 = arith.addi %mul3A_2, %add3A_619 : i32
    %dma_start3A_621 = arith.constant 0 : i32
    %dma_start3A_622 = tpu.memref_slice %arg4[%add3A_620, %dma_start3A_621] : memref<16384x1000xi32, #tpu.memory_space<hbm>> -> memref<16x1000xi32, #tpu.memory_space<hbm>>
    %dma_start3A_623 = arith.constant 0 : i32
    %dma_start3A_624 = tpu.memref_slice %arg4[%add3A_620, %dma_start3A_623] : memref<16384x1000xi32, #tpu.memory_space<hbm>> -> memref<16x1000xi32, #tpu.memory_space<hbm>>
    tpu.enqueue_dma source(%arg7 : memref<16x1000xi32, #tpu.memory_space<vmem>>) target(%dma_start3A_624 : memref<16x1000xi32, #tpu.memory_space<hbm>>) target_semaphore(%arg9 : memref<!tpu.dma_semaphore, #tpu.memory_space<semaphore_mem>>)
    %dma_wait3A_625 = arith.constant 0 : i32
    %dma_wait3A_626 = tpu.memref_slice %arg4[%add3A_600, %dma_wait3A_625] : memref<16384x1000xi32, #tpu.memory_space<hbm>> -> memref<16x1000xi32, #tpu.memory_space<hbm>>
    %dma_wait3A_627 = arith.constant 0 : i32
    %dma_wait3A_628 = tpu.memref_slice %arg4[%add3A_600, %dma_wait3A_627] : memref<16384x1000xi32, #tpu.memory_space<hbm>> -> memref<16x1000xi32, #tpu.memory_space<hbm>>
    tpu.wait_dma2 semaphore(%arg8 : memref<!tpu.dma_semaphore, #tpu.memory_space<semaphore_mem>>) src(%arg6 : memref<16x1000xi32, #tpu.memory_space<vmem>>) dst(%dma_wait3A_628 : memref<16x1000xi32, #tpu.memory_space<hbm>>)
    %dma_wait3A_629 = arith.constant 0 : i32
    %dma_wait3A_630 = tpu.memref_slice %arg4[%add3A_620, %dma_wait3A_629] : memref<16384x1000xi32, #tpu.memory_space<hbm>> -> memref<16x1000xi32, #tpu.memory_space<hbm>>
    %dma_wait3A_631 = arith.constant 0 : i32
    %dma_wait3A_632 = tpu.memref_slice %arg4[%add3A_620, %dma_wait3A_631] : memref<16384x1000xi32, #tpu.memory_space<hbm>> -> memref<16x1000xi32, #tpu.memory_space<hbm>>
    tpu.wait_dma2 semaphore(%arg9 : memref<!tpu.dma_semaphore, #tpu.memory_space<semaphore_mem>>) src(%arg7 : memref<16x1000xi32, #tpu.memory_space<vmem>>) dst(%dma_wait3A_632 : memref<16x1000xi32, #tpu.memory_space<hbm>>)
    return
  }
}

</mosaic_0001>

<sc_bundles>
// kernel: kernel.3.cloned.1.call-start
scs
__scs_entry_jumppad:
0x0: {  	(pc) =	sbr.rel $0x88, $3  }
0x1: {  	(tag) =	ssettag $0x0;
	lr =	simm.s32 $0x1  }
0x2: {  	[smem:$0x3FA0] =	sst lr;
	_ =	strace $0xD0000000  }
0x3: {  	_ = 	snop  }
0x4: {  	_ = 	snop  }
0x5: {  	_ = 	snop  }
0x6: {  	_ = 	snop  }
0x7: {  	_ = 	snop  }
__scs_overlays_trampoline_lowered:
0x8: {  	[smem:$0x3FAF] =	sst s0  }
0x9: {  	[smem:$0x3FB0] =	sst s1  }
0xa: {  	[smem:$0x3FB1] =	sst s2  }
0xb: {  	[smem:$0x3FB2] =	sst s3  }
0xc: {  	[smem:$0x3FB3] =	sst s4  }
0xd: {  	[smem:$0x3FB4] =	sst s5  }
0xe: {  	[smem:$0x3FB5] =	sst s6  }
0xf: {  	[smem:$0x3FB6] =	sst s7  }
0x10: {  	[smem:$0x3FB7] =	sst s8  }
0x11: {  	[smem:$0x3FB8] =	sst s9;
	s0 =	simm.s32 @!p0 $0x0  }
0x12: {  	s1 =	sld [smem:$0x3F9E];
	s0 =	simm.s32 @p0 $0x1  }
0x13: {  	[smem:$0x3FB9] =	sst s0;
	s0 =	simm.s32 @!p1 $0x0  }
0x14: {  	s2 =	sld [smem:$0x3F9D];
	s0 =	simm.s32 @p1 $0x1  }
0x15: {  	[smem:$0x3FBA] =	sst s0;
	s0 =	simm.s32 @!p2 $0x0  }
0x16: {  	s3 =	sld [smem:$0x3FDB];
	s0 =	simm.s32 @p2 $0x1  }
0x17: {  	s4 =	simm.s32 $0x1BF5;
	[smem:$0x3FBC] =	sst s0  }
0x18: {  	s0 =	sld [smem:$0x3F9F];
	_ =	swait.ge [sflag:s4], $0x0  }
0x19: {  	s7 =	sld [smem:$0x3FA0]  }
0x1a: {  	s8 =	sadd.s32 $0xFFFFE003, lr  }
0x1b: {  	s9 =	sadd.s32 $0xFFFFFEF7, lr;
	s5 =	simm.s32 $0xFFFFFFFF;
	p2 =	slt.u32 s8, $0xFFFFF086  }
0x1c: {  	p1 =	slt.u32 s9, $0xF7A;
	s5 =	simm.s32 @!p2 $0x0  }
0x1d: {  	s5 =	simm.s32 @p1 $0x1;
	p0 =	seq.s32 s7, s2  }
0x1e: {  	s7 =	smul.u32 @!p0 $0xF7A, s2;
	p2 =	seq.s32 @!p0 s5, $0x0  }
0x1f: {  	s9 =	smul.u32 $0xF7A, s1;
	s8 =	simm.s32 @!p0 $0x1BF5;
	p2 =	por !p2, p0  }
0x20: {  	[sflag:s8] =	ssyncset.s32 @!p0 $0xFFFFF086;
	s6 =	sadd.s32 @!p0 s3, s7;
	s7 =	simm.s32 @!p0 $0x108  }
0x21: {  	s3 =	sadd.s32 s3, s9;
	s6 =	sadd.s32 @!p0 $0x88, s6;
	s7 =	simm.s32 @p2 $0x1082  }
0x22: {  	[simem:s7], [sflag:s8] =	dma.local @!p0 [hbm:s6], $0xF7A  }
0x23: {  	s9 =	sor.u32 $0xD0000000, s2;
	s6 =	simm.s32 $0x108;
	_ =	swait.ge @!p0 [sflag:s8], $0x0  }
0x24: {  	s3 =	sadd.s32 $0x88, s3;
	s6 =	simm.s32 @!p1 $0x1082;
	[sflag:s4] =	ssyncset.s32 $0xFFFFF086  }
0x25: {  	[simem:s6], [sflag:s4] =	dma.local [hbm:s3], $0xF7A  }
0x26: {  	[smem:$0x3FA0] =	sst s1;
	(tag) =	ssettag s2;
	_ =	strace s9  }
0x27: {  	s1 =	sld [smem:$0x3FB0]  }
0x28: {  	s2 =	sld [smem:$0x3FB1]  }
0x29: {  	s4 =	sld [smem:$0x3FB3]  }
0x2a: {  	p0 =	seq.s32 s5, $0x0;
	s5 =	sld [smem:$0x3FB4]  }
0x2b: {  	s6 =	sld [smem:$0x3FB5]  }
0x2c: {  	s7 =	sld [smem:$0x3FB6]  }
0x2d: {  	s3 =	simm.s32 $0x108;
	s8 =	sld [smem:$0x3FB7]  }
0x2e: {  	s3 =	simm.s32 @!p0 $0x1082;
	s9 =	sld [smem:$0x3FB8]  }
0x2f: {  	lr =	sadd.s32 s0, s3;
	s0 =	sld [smem:$0x3FAF]  }
0x30: {  	s3 =	sld [smem:$0x3FB2]  }
0x31: {  	[smem:$0x3FBB] =	sst s10  }
0x32: {  	s10 =	sld [smem:$0x3FB9];
	_ =	sdelay $0x3  }
0x33: {  	p0 =	seq.s32 s10, $0x1;
	s10 =	sld [smem:$0x3FBB];
	_ =	sdelay $0x3  }
0x34: {  	[smem:$0x3FBB] =	sst s10  }
0x35: {  	s10 =	sld [smem:$0x3FBA];
	_ =	sdelay $0x3  }
0x36: {  	p1 =	seq.s32 s10, $0x1;
	s10 =	sld [smem:$0x3FBB];
	_ =	sdelay $0x3  }
0x37: {  	[smem:$0x3FBB] =	sst s10  }
0x38: {  	s10 =	sld [smem:$0x3FBC]  }
0x39: {  	_ = 	snop;
	(pc) =	sbr.ind lr, $3  }
0x3a: {  	_ = 	snop  }
0x3b: {  	_ = 	snop  }
0x3c: {  	p2 =	seq.s32 s10, $0x1;
	s10 =	sld [smem:$0x3FBB]  }
0x3d: {  	_ =	shalt  }
0x3e: {  	_ =	shalt  }
0x3f: {  	_ =	shalt  }
0x40: {  	_ =	shalt  }
0x41: {  	_ =	shalt  }
0x42: {  	_ =	shalt  }
0x43: {  	_ =	shalt  }
0x44: {  	_ =	shalt  }
0x45: {  	_ =	shalt  }
0x46: {  	_ =	shalt  }
0x47: {  	_ =	shalt  }
0x48: {  	_ =	shalt  }
0x49: {  	_ =	shalt  }
0x4a: {  	_ =	shalt  }
0x4b: {  	_ =	shalt  }
0x4c: {  	_ =	shalt  }
0x4d: {  	_ =	shalt  }
0x4e: {  	_ =	shalt  }
0x4f: {  	_ =	shalt  }
0x50: {  	_ =	shalt  }
0x51: {  	_ =	shalt  }
0x52: {  	_ =	shalt  }
0x53: {  	_ =	shalt  }
0x54: {  	_ =	shalt  }
0x55: {  	_ =	shalt  }
0x56: {  	_ =	shalt  }
0x57: {  	_ =	shalt  }
0x58: {  	_ =	shalt  }
0x59: {  	_ =	shalt  }
0x5a: {  	_ =	shalt  }
0x5b: {  	_ =	shalt  }
0x5c: {  	_ =	shalt  }
0x5d: {  	_ =	shalt  }
0x5e: {  	_ =	shalt  }
0x5f: {  	_ =	shalt  }
0x60: {  	_ =	shalt  }
0x61: {  	_ =	shalt  }
0x62: {  	_ =	shalt  }
0x63: {  	_ =	shalt  }
0x64: {  	_ =	shalt  }
0x65: {  	_ =	shalt  }
0x66: {  	_ =	shalt  }
0x67: {  	_ =	shalt  }
0x68: {  	_ =	shalt  }
0x69: {  	_ =	shalt  }
0x6a: {  	_ =	shalt  }
0x6b: {  	_ =	shalt  }
0x6c: {  	_ =	shalt  }
0x6d: {  	_ =	shalt  }
0x6e: {  	_ =	shalt  }
0x6f: {  	_ =	shalt  }
0x70: {  	_ =	shalt  }
0x71: {  	_ =	shalt  }
0x72: {  	_ =	shalt  }
0x73: {  	_ =	shalt  }
0x74: {  	_ =	shalt  }
0x75: {  	_ =	shalt  }
0x76: {  	_ =	shalt  }
0x77: {  	_ =	shalt  }
0x78: {  	_ =	shalt  }
0x79: {  	_ =	shalt  }
0x7a: {  	_ =	shalt  }
0x7b: {  	_ =	shalt  }
0x7c: {  	_ =	shalt  }
0x7d: {  	_ =	shalt  }
0x7e: {  	_ =	shalt  }
0x7f: {  	_ =	shalt  }
0x80: {  	_ =	shalt  }
0x81: {  	_ =	shalt  }
0x82: {  	_ =	shalt  }
0x83: {  	_ =	shalt  }
0x84: {  	_ =	shalt  }
0x85: {  	_ =	shalt  }
0x86: {  	_ =	shalt  }
0x87: {  	_ =	shalt  }
.Lfunc_end0:
.L_simem_size_0:
called_computation_lowered:
.L_overlay_start_0:
0x88: {  	s2 =	sld [smem:$0x3FD9]  }
0x89: {  	s3 =	sld [smem:$0x3FFE];
	_ =	sdelay $0x1  }
0x8a: {  	s1 =	srdreg.scid  }
0x8b: {  	s0 =	sand.u32 $0x1, s1  }
0x8c: {  	s17 =	sshll.u32 s0, $0xA;
	s2 =	sadd.s32 s3, s2  }
0x8d: {  	s2 =	sadd.s32 s2, s17  }
0x8e: {  	[smem:$0x3FC7] =	sst s2  }
0x8f: {  	_ = 	snop  }
0x90: {  	s2 =	sld [smem:$0x3FC9]  }
0x91: {  	s18 =	sld [smem:$0x3FD0];
	(tm) =	ssettm $0x1  }
0x92: {  	s4 =	sld [smem:$0x3FFB];
	_ =	sdelay $0x3  }
0x93: {  	_ =	strace s4  }
0x94: {  	s4 =	sld [smem:$0x3FFC];
	_ =	sdelay $0x3  }
0x95: {  	_ =	strace s4  }
0x96: {  	s4 =	sld [smem:$0x3FFD];
	_ =	sdelay $0x3  }
0x97: {  	_ =	strace s4  }
0x98: {  	_ =	strace $0x8FFFFFFF  }
0x99: {  	s19 =	sld [smem:$0x3FDB];
	_ =	sdelay $0x1  }
0x9a: {  	s5 =	simm.s32 $_scs_section_size  }
0x9b: {  	s6 =	simm.s32 $_size__tile_overlayer_lowered;
	s7 =	simm.s32 $_tile_overlayer_lowered  }
0x9c: {  	s22 =	simm.s32 $0x1BFF;
	s21 =	sshll.u32 s7, $0x1;
	s4 =	sadd.s32 s5, s19  }
0x9d: {  	s8 =	simm.s32 $0x0;
	s20 =	sshll.u32 s6, $0x1;
	s6 =	sadd.s32 s21, s4  }
0x9e: {  	[timem:s8], [sflag:s22] =	dma.local [hbm:s6], s20  }
0x9f: {  	_ =	swait.ge [sflag:s22], s20  }
0xa0: {  	s5 =	ssub.s32 $0x0, s20;
	[sflag:s22] =	ssyncset.done $0x0  }
0xa1: {  	[sflag:s22] =	ssyncadd.s32 s5;
	_ =	sdelay $0x1  }
0xa2: {  	s23 =	simm.s32 $0x1B8B  }
0xa3: {  	_ =	swait.ge [sflag:s23], $0x1  }
0xa4: {  	[sflag:s23] =	ssyncset.done $0x0  }
0xa5: {  	s25 =	simm.s32 $0x1B8E;
	s24 =	sld [smem:$0x3FFE];
	[sflag:s23] =	ssyncadd.s32 $0xFFFFFFFF  }
0xa6: {  	s26 =	simm.s32 $execute0_lowered;
	[smem:$0x3FD2] =	sst s25  }
0xa7: {  	s6 =	sshll.u32 s26, $0x1;
	_ =	strace $0x80000046;
	[dreg:$0x1] =	wrdreg $0xFFFFFFFF  }
0xa8: {  	s28 =	simm.s32 $_size_execute0_lowered;
	s4 =	sadd.s32 s4, s6;
	[dreg:$0x0] =	wrdreg $0x0  }
0xa9: {  	s6 =	sshll.u32 s28, $0x1;
	[dreg:$0x2] =	wrdreg s4  }
0xaa: {  	[dreg:$0x3] =	wrdreg s6  }
0xab: {  	[dreg:$0x4] =	wrdreg $0xC0  }
0xac: {  	_ =	task [dreg:s8], $0x5FFFF  }
0xad: {  	[dreg:$0x1] =	wrdreg $0xFFFFFFFF  }
0xae: {  	[dreg:$0x0] =	wrdreg $0x60  }
0xaf: {  	[dreg:$0x2] =	wrdreg s2  }
0xb0: {  	[dreg:$0x3] =	wrdreg s18  }
0xb1: {  	[dreg:$0x4] =	wrdreg s24  }
0xb2: {  	[dreg:$0x5] =	wrdreg $0x9  }
0xb3: {  	_ =	task.clear_ibuf [dreg:s8], $0x6FFFF;
	_ =	strace $0x90000046  }
0xb4: {  	s29 =	simm.s32 $0x9;
	_ =	strace $0x80000048  }
0xb5: {  	_ =	swait.ge [sflag:s29], $0x1  }
0xb6: {  	[sflag:s29] =	ssyncadd.s32 $0xFFFFFFFF  }
0xb7: {  	_ =	strace $0x90000048  }
0xb8: {  	_ =	sfence  }
0xb9: {  	s30 =	sld [smem:$0x0];
	_ =	sdelay $0x2  }
0xba: {  	s31 =	sshll.u32 s1, $0xD;
	s1 =	sshrl.u32 s1, $0x2  }
0xbb: {  	s3 =	sand.u32 $0x4000, s31;
	s1 =	sadd.s32 s1, s30  }
0xbc: {  	s0 =	sor.u32 s3, s0;
	s1 =	sshll.u32 s1, $0x11  }
0xbd: {  	s0 =	sor.u32 s1, s0  }
0xbe: {  	s0 =	sadd.s32 $0x8F2B, s0  }
0xbf: {  	[sflag:s0] =	ssyncadd.remote.s32 $0x1  }
0xc0: {  	_ =	sfence.sel $0xFFFF  }
0xc1: {  	[dreg:$0x0] =	wrdreg $0xFFFFFFFF;
	(pc) =	sbr.abs _section_cstart, $3  }
0xc2: {  	[dreg:$0x1] =	wrdreg $0xFFFFFFFF  }
0xc3: {  	_ =	task.clear_ibuf [dreg:s8], $0x2FFFF;
	_ =	strace $0x9FFFFFFF  }
0xc4: {  	(tm) =	ssettm $0x7FFFFFFF  }
0xc5: {  	_ =	shalt  }
tec
execute0_lowered:
.L_overlay_start_1:
0x0: {  	(tag) =	ssettag $0x1  }
0x1: {  	s4 =	rddreg [dreg:$0x0]  }
0x2: {  	s1 =	srdreg.scid;
	s2 =	rddreg [dreg:$0x1]  }
0x3: {  	s0 =	stileid.u32;
	s14 =	rddreg [dreg:$0x2]  }
0x4: {  	s3 =	simm.s32 $0x0;
	s28 =	simm.s32 $0x3;
	s29 =	simm.s32 $0x200  }
0x5: {  	s30 =	simm.s32 $0x4200;
	s31 =	simm.s32 $0x1;
	s5 =	sand.u32 $0x1, s1  }
0x6: {  	s6 =	sshll.u32 s0, $0xA;
	[smem:$0x7FF] =	sst s3;
	s7 =	sshll.u32 s5, $0x9  }
0x7: {  	_ =	strace $0x80000047;
	s5 =	ssub.s32 $0x2, s5;
	s6 =	sor.u32 s7, s6  }
0x8: {  	s24 =	sshrl.u32 s5, $0x1;
	s7 =	sshll.u32 s6, $0x7;
	s6 =	sshrl.u32 s6, $0x3  }
0x9: {  	v0 =	vimm.s32 $0x2380;
	vm0 =	vcmask $0x300;
	s26 =	ssub.s32 s5, s24;
	s1 =	sadd.s32 s7, s14;
	s4 =	sadd.s32 s4, s6  }
0xa: {  	vm14 =	vcmask $0x704;
	v0 =	vsel vm0, $0x0, v0;
	s26 =	smax.u32 s26, $0x1;
	[dreg:$0x4] =	wrdreg s4;
	s15 =	sadd.s32 $0x400, s1  }
0xb: {  	vm15 =	vcmask $0xB08;
	v0 =	vsel vm14, $0x80, v0;
	s16 =	sadd.s32 $0xC00, s1;
	s17 =	sadd.s32 $0x1400, s1;
	s18 =	sadd.s32 $0x1C00, s1  }
0xc: {  	vm4 =	vcmask $0xF0C;
	v0 =	vsel vm15, $0x100, v0;
	s19 =	sadd.s32 $0x2400, s1;
	s20 =	sadd.s32 $0x2C00, s1;
	[dreg:$0x5] =	wrdreg s15  }
0xd: {  	vm5 =	vcmask $0x1310;
	v0 =	vsel vm4, $0x180, v0;
	s21 =	sadd.s32 $0x3400, s1;
	s22 =	sadd.s32 $0x3C00, s1;
	[dreg:$0x6] =	wrdreg s16  }
0xe: {  	vm6 =	vcmask $0x1714;
	v0 =	vsel vm5, $0x200, v0;
	s23 =	sadd.s32 $0x4400, s1;
	s25 =	sadd.s32 $0x4C00, s1;
	[dreg:$0x7] =	wrdreg s17  }
0xf: {  	vm7 =	vcmask $0x1B18;
	s4 =	sadd.s32 $0x5400, s1;
	v0 =	vsel vm6, $0x280, v0;
	s5 =	sadd.s32 $0x5C00, s1;
	[dreg:$0x8] =	wrdreg s18  }
0x10: {  	vm8 =	vcmask $0x1F1C;
	s6 =	sadd.s32 $0x6400, s1;
	s7 =	sadd.s32 $0x6C00, s1;
	[dreg:$0x9] =	wrdreg s19;
	v0 =	vsel vm7, $0x300, v0  }
0x11: {  	vm9 =	vcmask $0x2320;
	s8 =	sadd.s32 $0x7400, s1;
	s9 =	sadd.s32 $0x7C00, s1;
	[dreg:$0xa] =	wrdreg s20;
	v0 =	vsel vm8, $0x380, v0  }
0x12: {  	vm10 =	vcmask $0x2724;
	s10 =	sadd.s32 $0x8400, s1;
	s11 =	sadd.s32 $0x8C00, s1;
	[dreg:$0xb] =	wrdreg s21;
	v0 =	vsel vm9, $0x2000, v0  }
0x13: {  	vm11 =	vcmask $0x2B28;
	s12 =	sadd.s32 $0x9400, s1;
	s13 =	sadd.s32 $0x9C00, s1;
	[dreg:$0xc] =	wrdreg s22;
	v0 =	vsel vm10, $0x2080, v0  }
0x14: {  	vm12 =	vcmask $0x2F2C;
	s14 =	sadd.s32 $0xA400, s1;
	s24 =	sadd.s32 $0xF400, s1;
	[dreg:$0xd] =	wrdreg s23;
	v0 =	vsel vm11, $0x2100, v0  }
0x15: {  	vm13 =	vcmask $0x3330;
	[dreg:$0xe] =	wrdreg s25;
	s15 =	sadd.s32 $0xAC00, s1;
	s16 =	sadd.s32 $0xB400, s1;
	v0 =	vsel vm12, $0x2180, v0  }
0x16: {  	vm14 =	vcmask $0x3734;
	s17 =	sadd.s32 $0xBC00, s1;
	s18 =	sadd.s32 $0xC400, s1;
	s19 =	sadd.s32 $0xCC00, s1;
	v0 =	vsel vm13, $0x2200, v0  }
0x17: {  	vm15 =	vcmask $0x3B38;
	s20 =	sadd.s32 $0xD400, s1;
	s21 =	sadd.s32 $0xDC00, s1;
	s22 =	sadd.s32 $0xE400, s1;
	v0 =	vsel vm14, $0x2280, v0  }
0x18: {  	v1 =	vimm.s32 $0x1;
	v2 =	vimm.s32 $0x0;
	s23 =	sadd.s32 $0xEC00, s1;
	s25 =	sadd.s32 $0xFC00, s1;
	s1 =	simm.s32 $0x2;
	v0 =	vsel vm15, $0x2300, v0  }
.LBB2_1:
0x19: {  	s0 =	rddreg [dreg:$0x4]  }
0x1a: {  	[tilespmem:s3], [sflag:$0x3] =	stream.linear.gather [hbm4b:s0+s3], $0x200, $0x38;
	[tilespmem:$0x8200] =	vst v63  }
0x1b: {  	_ =	swait.ge [sflag:s28], $0x200  }
0x1c: {  	[sflag:s28] =	ssyncset.done $0x0  }
0x1d: {  	[sflag:s28] =	ssyncadd.s32 $0xFFFFFE00  }
0x1e: {  	[tilespmem:s29], [sflag:$0x1] =	stream.linear.gather [hbm4b:s2+s3], $0x4000, $0x38;
	[tilespmem:$0x8200] =	vst v63  }
0x1f: {  	_ = 	snop  }
0x20: {  	[tilespmem:s30], [sflag:$0x2] =	stream.linear.gather [hbm4b:s2+s3], $0x4000, $0x38;
	[tilespmem:$0x8200] =	vst v63  }
0x21: {  	_ =	swait.ge [sflag:s31], $0x4000  }
0x22: {  	[sflag:s31] =	ssyncset.done $0x0  }
0x23: {  	[sflag:s31] =	ssyncadd.s32 $0xFFFFC000  }
0x24: {  	v3 =	vld [tilespmem:$0x0];
	_ =	sdelay $0x4  }
0x25: {  	v4 =	vshll.u32 v3, $0x3  }
0x26: {  	v3 =	vand.u32 $0x7F, v3;
	v4 =	vand.u32 $0xFFFFFC00, v4  }
0x27: {  	v3 =	vor.u32 v3, v4  }
0x28: {  	v3 =	vadd.s32 v0, v3;
	_ =	sdelay $0x4  }
0x29: {  	s0 =	rddreg [dreg:$0x5];
	[tilespmem:v3+s29+$0x0] =	vst.idx.msk $0xffff, v1  }
0x2a: {  	[hbm4b:s0+s3] =	stream.linear.scatter [tilespmem:s29], [sflag:$0x1], $0x4000, $0x38;
	[tilespmem:$0x8200] =	vst v63  }
0x2b: {  	_ =	swait.ge [sflag:s1], $0x4000  }
0x2c: {  	[sflag:s1] =	ssyncset.done $0x0  }
0x2d: {  	[sflag:s1] =	ssyncadd.s32 $0xFFFFC000  }
0x2e: {  	v3 =	vld [tilespmem:$0x10];
	_ =	sdelay $0x4  }
0x2f: {  	v59 =	vshll.u32 v3, $0x3  }
0x30: {  	v3 =	vand.u32 $0x7F, v3;
	v4 =	vand.u32 $0xFFFFFC00, v59  }
0x31: {  	v3 =	vor.u32 v3, v4  }
0x32: {  	v3 =	vadd.s32 v0, v3;
	_ =	sdelay $0x4  }
0x33: {  	s0 =	rddreg [dreg:$0x6];
	[tilespmem:v3+s30+$0x0] =	vst.idx.msk $0xffff, v1  }
0x34: {  	[hbm4b:s0+s3] =	stream.linear.scatter [tilespmem:s30], [sflag:$0x2], $0x4000, $0x38;
	[tilespmem:$0x8200] =	vst v63  }
0x35: {  	_ =	swait.ge [sflag:s31], $0x4000  }
0x36: {  	[sflag:s31] =	ssyncset.done $0x0  }
0x37: {  	[sflag:s31] =	ssyncadd.s32 $0xFFFFC000  }
0x38: {  	v3 =	vld [tilespmem:$0x0];
	_ =	sdelay $0x4  }
0x39: {  	v60 =	vshll.u32 v3, $0x3  }
0x3a: {  	v3 =	vand.u32 $0x7F, v3;
	v4 =	vand.u32 $0xFFFFFC00, v60  }
0x3b: {  	v3 =	vor.u32 v3, v4  }
0x3c: {  	v3 =	vadd.s32 v0, v3;
	_ =	sdelay $0x4  }
0x3d: {  	[tilespmem:v3+s29+$0x0] =	vst.idx.msk $0xffff, v2  }
0x3e: {  	v3 =	vld [tilespmem:$0x20];
	_ =	sdelay $0x4  }
0x3f: {  	v61 =	vshll.u32 v3, $0x3  }
0x40: {  	v3 =	vand.u32 $0x7F, v3;
	v4 =	vand.u32 $0xFFFFFC00, v61  }
0x41: {  	v3 =	vor.u32 v3, v4  }
0x42: {  	v3 =	vadd.s32 v0, v3;
	_ =	sdelay $0x4  }
0x43: {  	s0 =	rddreg [dreg:$0x7];
	[tilespmem:v3+s29+$0x0] =	vst.idx.msk $0xffff, v1  }
0x44: {  	[hbm4b:s0+s3] =	stream.linear.scatter [tilespmem:s29], [sflag:$0x1], $0x4000, $0x38;
	[tilespmem:$0x8200] =	vst v63  }
0x45: {  	_ =	swait.ge [sflag:s1], $0x4000  }
0x46: {  	[sflag:s1] =	ssyncset.done $0x0  }
0x47: {  	[sflag:s1] =	ssyncadd.s32 $0xFFFFC000  }
0x48: {  	v3 =	vld [tilespmem:$0x10];
	_ =	sdelay $0x4  }
0x49: {  	v62 =	vshll.u32 v3, $0x3  }
0x4a: {  	v3 =	vand.u32 $0x7F, v3;
	v4 =	vand.u32 $0xFFFFFC00, v62  }
0x4b: {  	v3 =	vor.u32 v3, v4  }
0x4c: {  	v3 =	vadd.s32 v0, v3;
	_ =	sdelay $0x4  }
0x4d: {  	[tilespmem:v3+s30+$0x0] =	vst.idx.msk $0xffff, v2  }
0x4e: {  	v3 =	vld [tilespmem:$0x30];
	_ =	sdelay $0x4  }
0x4f: {  	v63 =	vshll.u32 v3, $0x3  }
0x50: {  	v3 =	vand.u32 $0x7F, v3;
	v4 =	vand.u32 $0xFFFFFC00, v63  }
0x51: {  	v3 =	vor.u32 v3, v4  }
0x52: {  	v3 =	vadd.s32 v0, v3;
	_ =	sdelay $0x4  }
0x53: {  	s0 =	rddreg [dreg:$0x8];
	[tilespmem:v3+s30+$0x0] =	vst.idx.msk $0xffff, v1  }
0x54: {  	[hbm4b:s0+s3] =	stream.linear.scatter [tilespmem:s30], [sflag:$0x2], $0x4000, $0x38;
	[tilespmem:$0x8200] =	vst v63  }
0x55: {  	_ =	swait.ge [sflag:s31], $0x4000  }
0x56: {  	[sflag:s31] =	ssyncset.done $0x0  }
0x57: {  	[sflag:s31] =	ssyncadd.s32 $0xFFFFC000  }
0x58: {  	v3 =	vld [tilespmem:$0x20];
	_ =	sdelay $0x4  }
0x59: {  	v8 =	vshll.u32 v3, $0x3  }
0x5a: {  	v3 =	vand.u32 $0x7F, v3;
	v4 =	vand.u32 $0xFFFFFC00, v8  }
0x5b: {  	v3 =	vor.u32 v3, v4  }
0x5c: {  	v3 =	vadd.s32 v0, v3;
	_ =	sdelay $0x4  }
0x5d: {  	[tilespmem:v3+s29+$0x0] =	vst.idx.msk $0xffff, v2  }
0x5e: {  	v3 =	vld [tilespmem:$0x40];
	_ =	sdelay $0x4  }
0x5f: {  	v9 =	vshll.u32 v3, $0x3  }
0x60: {  	v3 =	vand.u32 $0x7F, v3;
	v4 =	vand.u32 $0xFFFFFC00, v9  }
0x61: {  	v3 =	vor.u32 v3, v4  }
0x62: {  	v3 =	vadd.s32 v0, v3;
	_ =	sdelay $0x4  }
0x63: {  	s0 =	rddreg [dreg:$0x9];
	[tilespmem:v3+s29+$0x0] =	vst.idx.msk $0xffff, v1  }
0x64: {  	[hbm4b:s0+s3] =	stream.linear.scatter [tilespmem:s29], [sflag:$0x1], $0x4000, $0x38;
	[tilespmem:$0x8200] =	vst v63  }
0x65: {  	_ =	swait.ge [sflag:s1], $0x4000  }
0x66: {  	[sflag:s1] =	ssyncset.done $0x0  }
0x67: {  	[sflag:s1] =	ssyncadd.s32 $0xFFFFC000  }
0x68: {  	v3 =	vld [tilespmem:$0x30];
	_ =	sdelay $0x4  }
0x69: {  	v10 =	vshll.u32 v3, $0x3  }
0x6a: {  	v3 =	vand.u32 $0x7F, v3;
	v4 =	vand.u32 $0xFFFFFC00, v10  }
0x6b: {  	v3 =	vor.u32 v3, v4  }
0x6c: {  	v3 =	vadd.s32 v0, v3;
	_ =	sdelay $0x4  }
0x6d: {  	[tilespmem:v3+s30+$0x0] =	vst.idx.msk $0xffff, v2  }
0x6e: {  	v3 =	vld [tilespmem:$0x50];
	_ =	sdelay $0x4  }
0x6f: {  	v11 =	vshll.u32 v3, $0x3  }
0x70: {  	v3 =	vand.u32 $0x7F, v3;
	v4 =	vand.u32 $0xFFFFFC00, v11  }
0x71: {  	v3 =	vor.u32 v3, v4  }
0x72: {  	v3 =	vadd.s32 v0, v3;
	_ =	sdelay $0x4  }
0x73: {  	s0 =	rddreg [dreg:$0xa];
	[tilespmem:v3+s30+$0x0] =	vst.idx.msk $0xffff, v1  }
0x74: {  	[hbm4b:s0+s3] =	stream.linear.scatter [tilespmem:s30], [sflag:$0x2], $0x4000, $0x38;
	[tilespmem:$0x8200] =	vst v63  }
0x75: {  	_ =	swait.ge [sflag:s31], $0x4000  }
0x76: {  	[sflag:s31] =	ssyncset.done $0x0  }
0x77: {  	[sflag:s31] =	ssyncadd.s32 $0xFFFFC000  }
0x78: {  	v3 =	vld [tilespmem:$0x40];
	_ =	sdelay $0x4  }
0x79: {  	v12 =	vshll.u32 v3, $0x3  }
0x7a: {  	v3 =	vand.u32 $0x7F, v3;
	v4 =	vand.u32 $0xFFFFFC00, v12  }
0x7b: {  	v3 =	vor.u32 v3, v4  }
0x7c: {  	v3 =	vadd.s32 v0, v3;
	_ =	sdelay $0x4  }
0x7d: {  	[tilespmem:v3+s29+$0x0] =	vst.idx.msk $0xffff, v2  }
0x7e: {  	v3 =	vld [tilespmem:$0x60];
	_ =	sdelay $0x4  }
0x7f: {  	v13 =	vshll.u32 v3, $0x3  }
0x80: {  	v3 =	vand.u32 $0x7F, v3;
	v4 =	vand.u32 $0xFFFFFC00, v13  }
0x81: {  	v3 =	vor.u32 v3, v4  }
0x82: {  	v3 =	vadd.s32 v0, v3;
	_ =	sdelay $0x4  }
0x83: {  	s0 =	rddreg [dreg:$0xb];
	[tilespmem:v3+s29+$0x0] =	vst.idx.msk $0xffff, v1  }
0x84: {  	[hbm4b:s0+s3] =	stream.linear.scatter [tilespmem:s29], [sflag:$0x1], $0x4000, $0x38;
	[tilespmem:$0x8200] =	vst v63  }
0x85: {  	_ =	swait.ge [sflag:s1], $0x4000  }
0x86: {  	[sflag:s1] =	ssyncset.done $0x0  }
0x87: {  	[sflag:s1] =	ssyncadd.s32 $0xFFFFC000  }
0x88: {  	v3 =	vld [tilespmem:$0x50];
	_ =	sdelay $0x4  }
0x89: {  	v14 =	vshll.u32 v3, $0x3  }
0x8a: {  	v3 =	vand.u32 $0x7F, v3;
	v4 =	vand.u32 $0xFFFFFC00, v14  }
0x8b: {  	v3 =	vor.u32 v3, v4  }
0x8c: {  	v3 =	vadd.s32 v0, v3;
	_ =	sdelay $0x4  }
0x8d: {  	[tilespmem:v3+s30+$0x0] =	vst.idx.msk $0xffff, v2  }
0x8e: {  	v3 =	vld [tilespmem:$0x70];
	_ =	sdelay $0x4  }
0x8f: {  	v15 =	vshll.u32 v3, $0x3  }
0x90: {  	v3 =	vand.u32 $0x7F, v3;
	v4 =	vand.u32 $0xFFFFFC00, v15  }
0x91: {  	v3 =	vor.u32 v3, v4  }
0x92: {  	v3 =	vadd.s32 v0, v3;
	_ =	sdelay $0x4  }
0x93: {  	s0 =	rddreg [dreg:$0xc];
	[tilespmem:v3+s30+$0x0] =	vst.idx.msk $0xffff, v1  }
0x94: {  	[hbm4b:s0+s3] =	stream.linear.scatter [tilespmem:s30], [sflag:$0x2], $0x4000, $0x38;
	[tilespmem:$0x8200] =	vst v63  }
0x95: {  	_ =	swait.ge [sflag:s31], $0x4000  }
0x96: {  	[sflag:s31] =	ssyncset.done $0x0  }
0x97: {  	[sflag:s31] =	ssyncadd.s32 $0xFFFFC000  }
0x98: {  	v3 =	vld [tilespmem:$0x60];
	_ =	sdelay $0x4  }
0x99: {  	v16 =	vshll.u32 v3, $0x3  }
0x9a: {  	v3 =	vand.u32 $0x7F, v3;
	v4 =	vand.u32 $0xFFFFFC00, v16  }
0x9b: {  	v3 =	vor.u32 v3, v4  }
0x9c: {  	v3 =	vadd.s32 v0, v3;
	_ =	sdelay $0x4  }
0x9d: {  	[tilespmem:v3+s29+$0x0] =	vst.idx.msk $0xffff, v2  }
0x9e: {  	v3 =	vld [tilespmem:$0x80];
	_ =	sdelay $0x4  }
0x9f: {  	v17 =	vshll.u32 v3, $0x3  }
0xa0: {  	v3 =	vand.u32 $0x7F, v3;
	v4 =	vand.u32 $0xFFFFFC00, v17  }
0xa1: {  	v3 =	vor.u32 v3, v4  }
0xa2: {  	v3 =	vadd.s32 v0, v3;
	_ =	sdelay $0x4  }
0xa3: {  	s0 =	rddreg [dreg:$0xd];
	[tilespmem:v3+s29+$0x0] =	vst.idx.msk $0xffff, v1  }
0xa4: {  	[hbm4b:s0+s3] =	stream.linear.scatter [tilespmem:s29], [sflag:$0x1], $0x4000, $0x38;
	[tilespmem:$0x8200] =	vst v63  }
0xa5: {  	_ =	swait.ge [sflag:s1], $0x4000  }
0xa6: {  	[sflag:s1] =	ssyncset.done $0x0  }
0xa7: {  	[sflag:s1] =	ssyncadd.s32 $0xFFFFC000  }
0xa8: {  	v3 =	vld [tilespmem:$0x70];
	_ =	sdelay $0x4  }
0xa9: {  	v18 =	vshll.u32 v3, $0x3  }
0xaa: {  	v3 =	vand.u32 $0x7F, v3;
	v4 =	vand.u32 $0xFFFFFC00, v18  }
0xab: {  	v3 =	vor.u32 v3, v4  }
0xac: {  	v3 =	vadd.s32 v0, v3;
	_ =	sdelay $0x4  }
0xad: {  	[tilespmem:v3+s30+$0x0] =	vst.idx.msk $0xffff, v2  }
0xae: {  	v3 =	vld [tilespmem:$0x90];
	_ =	sdelay $0x4  }
0xaf: {  	v19 =	vshll.u32 v3, $0x3  }
0xb0: {  	v3 =	vand.u32 $0x7F, v3;
	v4 =	vand.u32 $0xFFFFFC00, v19  }
0xb1: {  	v3 =	vor.u32 v3, v4  }
0xb2: {  	v3 =	vadd.s32 v0, v3;
	_ =	sdelay $0x4  }
0xb3: {  	s0 =	rddreg [dreg:$0xe];
	[tilespmem:v3+s30+$0x0] =	vst.idx.msk $0xffff, v1  }
0xb4: {  	[hbm4b:s0+s3] =	stream.linear.scatter [tilespmem:s30], [sflag:$0x2], $0x4000, $0x38;
	[tilespmem:$0x8200] =	vst v63  }
0xb5: {  	_ =	swait.ge [sflag:s31], $0x4000  }
0xb6: {  	[sflag:s31] =	ssyncset.done $0x0  }
0xb7: {  	[sflag:s31] =	ssyncadd.s32 $0xFFFFC000  }
0xb8: {  	v3 =	vld [tilespmem:$0x80];
	_ =	sdelay $0x4  }
0xb9: {  	v20 =	vshll.u32 v3, $0x3  }
0xba: {  	v3 =	vand.u32 $0x7F, v3;
	v4 =	vand.u32 $0xFFFFFC00, v20  }
0xbb: {  	v3 =	vor.u32 v3, v4  }
0xbc: {  	v3 =	vadd.s32 v0, v3;
	_ =	sdelay $0x4  }
0xbd: {  	[tilespmem:v3+s29+$0x0] =	vst.idx.msk $0xffff, v2  }
0xbe: {  	v3 =	vld [tilespmem:$0xA0];
	_ =	sdelay $0x4  }
0xbf: {  	v21 =	vshll.u32 v3, $0x3  }
0xc0: {  	v3 =	vand.u32 $0x7F, v3;
	v4 =	vand.u32 $0xFFFFFC00, v21  }
0xc1: {  	v3 =	vor.u32 v3, v4  }
0xc2: {  	v3 =	vadd.s32 v0, v3;
	_ =	sdelay $0x4  }
0xc3: {  	[tilespmem:v3+s29+$0x0] =	vst.idx.msk $0xffff, v1  }
0xc4: {  	[hbm4b:s4+s3] =	stream.linear.scatter [tilespmem:s29], [sflag:$0x1], $0x4000, $0x38;
	[tilespmem:$0x8200] =	vst v63  }
0xc5: {  	_ =	swait.ge [sflag:s1], $0x4000  }
0xc6: {  	[sflag:s1] =	ssyncset.done $0x0  }
0xc7: {  	[sflag:s1] =	ssyncadd.s32 $0xFFFFC000  }
0xc8: {  	v3 =	vld [tilespmem:$0x90];
	_ =	sdelay $0x4  }
0xc9: {  	v22 =	vshll.u32 v3, $0x3  }
0xca: {  	v3 =	vand.u32 $0x7F, v3;
	v4 =	vand.u32 $0xFFFFFC00, v22  }
0xcb: {  	v3 =	vor.u32 v3, v4  }
0xcc: {  	v3 =	vadd.s32 v0, v3;
	_ =	sdelay $0x4  }
0xcd: {  	[tilespmem:v3+s30+$0x0] =	vst.idx.msk $0xffff, v2  }
0xce: {  	v3 =	vld [tilespmem:$0xB0];
	_ =	sdelay $0x4  }
0xcf: {  	v23 =	vshll.u32 v3, $0x3  }
0xd0: {  	v3 =	vand.u32 $0x7F, v3;
	v4 =	vand.u32 $0xFFFFFC00, v23  }
0xd1: {  	v3 =	vor.u32 v3, v4  }
0xd2: {  	v3 =	vadd.s32 v0, v3;
	_ =	sdelay $0x4  }
0xd3: {  	[tilespmem:v3+s30+$0x0] =	vst.idx.msk $0xffff, v1  }
0xd4: {  	[hbm4b:s5+s3] =	stream.linear.scatter [tilespmem:s30], [sflag:$0x2], $0x4000, $0x38;
	[tilespmem:$0x8200] =	vst v63  }
0xd5: {  	_ =	swait.ge [sflag:s31], $0x4000  }
0xd6: {  	[sflag:s31] =	ssyncset.done $0x0  }
0xd7: {  	[sflag:s31] =	ssyncadd.s32 $0xFFFFC000  }
0xd8: {  	v3 =	vld [tilespmem:$0xA0];
	_ =	sdelay $0x4  }
0xd9: {  	v24 =	vshll.u32 v3, $0x3  }
0xda: {  	v3 =	vand.u32 $0x7F, v3;
	v4 =	vand.u32 $0xFFFFFC00, v24  }
0xdb: {  	v3 =	vor.u32 v3, v4  }
0xdc: {  	v3 =	vadd.s32 v0, v3;
	_ =	sdelay $0x4  }
0xdd: {  	[tilespmem:v3+s29+$0x0] =	vst.idx.msk $0xffff, v2  }
0xde: {  	v3 =	vld [tilespmem:$0xC0];
	_ =	sdelay $0x4  }
0xdf: {  	v25 =	vshll.u32 v3, $0x3  }
0xe0: {  	v3 =	vand.u32 $0x7F, v3;
	v4 =	vand.u32 $0xFFFFFC00, v25  }
0xe1: {  	v3 =	vor.u32 v3, v4  }
0xe2: {  	v3 =	vadd.s32 v0, v3;
	_ =	sdelay $0x4  }
0xe3: {  	[tilespmem:v3+s29+$0x0] =	vst.idx.msk $0xffff, v1  }
0xe4: {  	[hbm4b:s6+s3] =	stream.linear.scatter [tilespmem:s29], [sflag:$0x1], $0x4000, $0x38;
	[tilespmem:$0x8200] =	vst v63  }
0xe5: {  	_ =	swait.ge [sflag:s1], $0x4000  }
0xe6: {  	[sflag:s1] =	ssyncset.done $0x0  }
0xe7: {  	[sflag:s1] =	ssyncadd.s32 $0xFFFFC000  }
0xe8: {  	v3 =	vld [tilespmem:$0xB0];
	_ =	sdelay $0x4  }
0xe9: {  	v26 =	vshll.u32 v3, $0x3  }
0xea: {  	v3 =	vand.u32 $0x7F, v3;
	v4 =	vand.u32 $0xFFFFFC00, v26  }
0xeb: {  	v3 =	vor.u32 v3, v4  }
0xec: {  	v3 =	vadd.s32 v0, v3;
	_ =	sdelay $0x4  }
0xed: {  	[tilespmem:v3+s30+$0x0] =	vst.idx.msk $0xffff, v2  }
0xee: {  	v3 =	vld [tilespmem:$0xD0];
	_ =	sdelay $0x4  }
0xef: {  	v27 =	vshll.u32 v3, $0x3  }
0xf0: {  	v3 =	vand.u32 $0x7F, v3;
	v4 =	vand.u32 $0xFFFFFC00, v27  }
0xf1: {  	v3 =	vor.u32 v3, v4  }
0xf2: {  	v3 =	vadd.s32 v0, v3;
	_ =	sdelay $0x4  }
0xf3: {  	[tilespmem:v3+s30+$0x0] =	vst.idx.msk $0xffff, v1  }
0xf4: {  	[hbm4b:s7+s3] =	stream.linear.scatter [tilespmem:s30], [sflag:$0x2], $0x4000, $0x38;
	[tilespmem:$0x8200] =	vst v63  }
0xf5: {  	_ =	swait.ge [sflag:s31], $0x4000  }
0xf6: {  	[sflag:s31] =	ssyncset.done $0x0  }
0xf7: {  	[sflag:s31] =	ssyncadd.s32 $0xFFFFC000  }
0xf8: {  	v3 =	vld [tilespmem:$0xC0];
	_ =	sdelay $0x4  }
0xf9: {  	v28 =	vshll.u32 v3, $0x3  }
0xfa: {  	v3 =	vand.u32 $0x7F, v3;
	v4 =	vand.u32 $0xFFFFFC00, v28  }
0xfb: {  	v3 =	vor.u32 v3, v4  }
0xfc: {  	v3 =	vadd.s32 v0, v3;
	_ =	sdelay $0x4  }
0xfd: {  	[tilespmem:v3+s29+$0x0] =	vst.idx.msk $0xffff, v2  }
0xfe: {  	v3 =	vld [tilespmem:$0xE0];
	_ =	sdelay $0x4  }
0xff: {  	v29 =	vshll.u32 v3, $0x3  }
0x100: {  	v3 =	vand.u32 $0x7F, v3;
	v4 =	vand.u32 $0xFFFFFC00, v29  }
0x101: {  	v3 =	vor.u32 v3, v4  }
0x102: {  	v3 =	vadd.s32 v0, v3;
	_ =	sdelay $0x4  }
0x103: {  	[tilespmem:v3+s29+$0x0] =	vst.idx.msk $0xffff, v1  }
0x104: {  	[hbm4b:s8+s3] =	stream.linear.scatter [tilespmem:s29], [sflag:$0x1], $0x4000, $0x38;
	[tilespmem:$0x8200] =	vst v63  }
0x105: {  	_ =	swait.ge [sflag:s1], $0x4000  }
0x106: {  	[sflag:s1] =	ssyncset.done $0x0  }
0x107: {  	[sflag:s1] =	ssyncadd.s32 $0xFFFFC000  }
0x108: {  	v3 =	vld [tilespmem:$0xD0];
	_ =	sdelay $0x4  }
0x109: {  	v30 =	vshll.u32 v3, $0x3  }
0x10a: {  	v3 =	vand.u32 $0x7F, v3;
	v4 =	vand.u32 $0xFFFFFC00, v30  }
0x10b: {  	v3 =	vor.u32 v3, v4  }
0x10c: {  	v3 =	vadd.s32 v0, v3;
	_ =	sdelay $0x4  }
0x10d: {  	[tilespmem:v3+s30+$0x0] =	vst.idx.msk $0xffff, v2  }
0x10e: {  	v3 =	vld [tilespmem:$0xF0];
	_ =	sdelay $0x4  }
0x10f: {  	v31 =	vshll.u32 v3, $0x3  }
0x110: {  	v3 =	vand.u32 $0x7F, v3;
	v4 =	vand.u32 $0xFFFFFC00, v31  }
0x111: {  	v3 =	vor.u32 v3, v4  }
0x112: {  	v3 =	vadd.s32 v0, v3;
	_ =	sdelay $0x4  }
0x113: {  	[tilespmem:v3+s30+$0x0] =	vst.idx.msk $0xffff, v1  }
0x114: {  	[hbm4b:s9+s3] =	stream.linear.scatter [tilespmem:s30], [sflag:$0x2], $0x4000, $0x38;
	[tilespmem:$0x8200] =	vst v63  }
0x115: {  	_ =	swait.ge [sflag:s31], $0x4000  }
0x116: {  	[sflag:s31] =	ssyncset.done $0x0  }
0x117: {  	[sflag:s31] =	ssyncadd.s32 $0xFFFFC000  }
0x118: {  	v3 =	vld [tilespmem:$0xE0];
	_ =	sdelay $0x4  }
0x119: {  	v32 =	vshll.u32 v3, $0x3  }
0x11a: {  	v3 =	vand.u32 $0x7F, v3;
	v4 =	vand.u32 $0xFFFFFC00, v32  }
0x11b: {  	v3 =	vor.u32 v3, v4  }
0x11c: {  	v3 =	vadd.s32 v0, v3;
	_ =	sdelay $0x4  }
0x11d: {  	[tilespmem:v3+s29+$0x0] =	vst.idx.msk $0xffff, v2  }
0x11e: {  	v3 =	vld [tilespmem:$0x100];
	_ =	sdelay $0x4  }
0x11f: {  	v33 =	vshll.u32 v3, $0x3  }
0x120: {  	v3 =	vand.u32 $0x7F, v3;
	v4 =	vand.u32 $0xFFFFFC00, v33  }
0x121: {  	v3 =	vor.u32 v3, v4  }
0x122: {  	v3 =	vadd.s32 v0, v3;
	_ =	sdelay $0x4  }
0x123: {  	[tilespmem:v3+s29+$0x0] =	vst.idx.msk $0xffff, v1  }
0x124: {  	[hbm4b:s10+s3] =	stream.linear.scatter [tilespmem:s29], [sflag:$0x1], $0x4000, $0x38;
	[tilespmem:$0x8200] =	vst v63  }
0x125: {  	_ =	swait.ge [sflag:s1], $0x4000  }
0x126: {  	[sflag:s1] =	ssyncset.done $0x0  }
0x127: {  	[sflag:s1] =	ssyncadd.s32 $0xFFFFC000  }
0x128: {  	v3 =	vld [tilespmem:$0xF0];
	_ =	sdelay $0x4  }
0x129: {  	v34 =	vshll.u32 v3, $0x3  }
0x12a: {  	v3 =	vand.u32 $0x7F, v3;
	v4 =	vand.u32 $0xFFFFFC00, v34  }
0x12b: {  	v3 =	vor.u32 v3, v4  }
0x12c: {  	v3 =	vadd.s32 v0, v3;
	_ =	sdelay $0x4  }
0x12d: {  	[tilespmem:v3+s30+$0x0] =	vst.idx.msk $0xffff, v2  }
0x12e: {  	v3 =	vld [tilespmem:$0x110];
	_ =	sdelay $0x4  }
0x12f: {  	v35 =	vshll.u32 v3, $0x3  }
0x130: {  	v3 =	vand.u32 $0x7F, v3;
	v4 =	vand.u32 $0xFFFFFC00, v35  }
0x131: {  	v3 =	vor.u32 v3, v4  }
0x132: {  	v3 =	vadd.s32 v0, v3;
	_ =	sdelay $0x4  }
0x133: {  	[tilespmem:v3+s30+$0x0] =	vst.idx.msk $0xffff, v1  }
0x134: {  	[hbm4b:s11+s3] =	stream.linear.scatter [tilespmem:s30], [sflag:$0x2], $0x4000, $0x38;
	[tilespmem:$0x8200] =	vst v63  }
0x135: {  	_ =	swait.ge [sflag:s31], $0x4000  }
0x136: {  	[sflag:s31] =	ssyncset.done $0x0  }
0x137: {  	[sflag:s31] =	ssyncadd.s32 $0xFFFFC000  }
0x138: {  	v3 =	vld [tilespmem:$0x100];
	_ =	sdelay $0x4  }
0x139: {  	v36 =	vshll.u32 v3, $0x3  }
0x13a: {  	v3 =	vand.u32 $0x7F, v3;
	v4 =	vand.u32 $0xFFFFFC00, v36  }
0x13b: {  	v3 =	vor.u32 v3, v4  }
0x13c: {  	v3 =	vadd.s32 v0, v3;
	_ =	sdelay $0x4  }
0x13d: {  	[tilespmem:v3+s29+$0x0] =	vst.idx.msk $0xffff, v2  }
0x13e: {  	v3 =	vld [tilespmem:$0x120];
	_ =	sdelay $0x4  }
0x13f: {  	v37 =	vshll.u32 v3, $0x3  }
0x140: {  	v3 =	vand.u32 $0x7F, v3;
	v4 =	vand.u32 $0xFFFFFC00, v37  }
0x141: {  	v3 =	vor.u32 v3, v4  }
0x142: {  	v3 =	vadd.s32 v0, v3;
	_ =	sdelay $0x4  }
0x143: {  	[tilespmem:v3+s29+$0x0] =	vst.idx.msk $0xffff, v1  }
0x144: {  	[hbm4b:s12+s3] =	stream.linear.scatter [tilespmem:s29], [sflag:$0x1], $0x4000, $0x38;
	[tilespmem:$0x8200] =	vst v63  }
0x145: {  	_ =	swait.ge [sflag:s1], $0x4000  }
0x146: {  	[sflag:s1] =	ssyncset.done $0x0  }
0x147: {  	[sflag:s1] =	ssyncadd.s32 $0xFFFFC000  }
0x148: {  	v3 =	vld [tilespmem:$0x110];
	_ =	sdelay $0x4  }
0x149: {  	v38 =	vshll.u32 v3, $0x3  }
0x14a: {  	v3 =	vand.u32 $0x7F, v3;
	v4 =	vand.u32 $0xFFFFFC00, v38  }
0x14b: {  	v3 =	vor.u32 v3, v4  }
0x14c: {  	v3 =	vadd.s32 v0, v3;
	_ =	sdelay $0x4  }
0x14d: {  	[tilespmem:v3+s30+$0x0] =	vst.idx.msk $0xffff, v2  }
0x14e: {  	v3 =	vld [tilespmem:$0x130];
	_ =	sdelay $0x4  }
0x14f: {  	v39 =	vshll.u32 v3, $0x3  }
0x150: {  	v3 =	vand.u32 $0x7F, v3;
	v4 =	vand.u32 $0xFFFFFC00, v39  }
0x151: {  	v3 =	vor.u32 v3, v4  }
0x152: {  	v3 =	vadd.s32 v0, v3;
	_ =	sdelay $0x4  }
0x153: {  	[tilespmem:v3+s30+$0x0] =	vst.idx.msk $0xffff, v1  }
0x154: {  	[hbm4b:s13+s3] =	stream.linear.scatter [tilespmem:s30], [sflag:$0x2], $0x4000, $0x38;
	[tilespmem:$0x8200] =	vst v63  }
0x155: {  	_ =	swait.ge [sflag:s31], $0x4000  }
0x156: {  	[sflag:s31] =	ssyncset.done $0x0  }
0x157: {  	[sflag:s31] =	ssyncadd.s32 $0xFFFFC000  }
0x158: {  	v3 =	vld [tilespmem:$0x120];
	_ =	sdelay $0x4  }
0x159: {  	v40 =	vshll.u32 v3, $0x3  }
0x15a: {  	v3 =	vand.u32 $0x7F, v3;
	v4 =	vand.u32 $0xFFFFFC00, v40  }
0x15b: {  	v3 =	vor.u32 v3, v4  }
0x15c: {  	v3 =	vadd.s32 v0, v3;
	_ =	sdelay $0x4  }
0x15d: {  	[tilespmem:v3+s29+$0x0] =	vst.idx.msk $0xffff, v2  }
0x15e: {  	v3 =	vld [tilespmem:$0x140];
	_ =	sdelay $0x4  }
0x15f: {  	v41 =	vshll.u32 v3, $0x3  }
0x160: {  	v3 =	vand.u32 $0x7F, v3;
	v4 =	vand.u32 $0xFFFFFC00, v41  }
0x161: {  	v3 =	vor.u32 v3, v4  }
0x162: {  	v3 =	vadd.s32 v0, v3;
	_ =	sdelay $0x4  }
0x163: {  	[tilespmem:v3+s29+$0x0] =	vst.idx.msk $0xffff, v1  }
0x164: {  	[hbm4b:s14+s3] =	stream.linear.scatter [tilespmem:s29], [sflag:$0x1], $0x4000, $0x38;
	[tilespmem:$0x8200] =	vst v63  }
0x165: {  	_ =	swait.ge [sflag:s1], $0x4000  }
0x166: {  	[sflag:s1] =	ssyncset.done $0x0  }
0x167: {  	[sflag:s1] =	ssyncadd.s32 $0xFFFFC000  }
0x168: {  	v3 =	vld [tilespmem:$0x130];
	_ =	sdelay $0x4  }
0x169: {  	v42 =	vshll.u32 v3, $0x3  }
0x16a: {  	v3 =	vand.u32 $0x7F, v3;
	v4 =	vand.u32 $0xFFFFFC00, v42  }
0x16b: {  	v3 =	vor.u32 v3, v4  }
0x16c: {  	v3 =	vadd.s32 v0, v3;
	_ =	sdelay $0x4  }
0x16d: {  	[tilespmem:v3+s30+$0x0] =	vst.idx.msk $0xffff, v2  }
0x16e: {  	v3 =	vld [tilespmem:$0x150];
	_ =	sdelay $0x4  }
0x16f: {  	v43 =	vshll.u32 v3, $0x3  }
0x170: {  	v3 =	vand.u32 $0x7F, v3;
	v4 =	vand.u32 $0xFFFFFC00, v43  }
0x171: {  	v3 =	vor.u32 v3, v4  }
0x172: {  	v3 =	vadd.s32 v0, v3;
	_ =	sdelay $0x4  }
0x173: {  	[tilespmem:v3+s30+$0x0] =	vst.idx.msk $0xffff, v1  }
0x174: {  	[hbm4b:s15+s3] =	stream.linear.scatter [tilespmem:s30], [sflag:$0x2], $0x4000, $0x38;
	[tilespmem:$0x8200] =	vst v63  }
0x175: {  	_ =	swait.ge [sflag:s31], $0x4000  }
0x176: {  	[sflag:s31] =	ssyncset.done $0x0  }
0x177: {  	[sflag:s31] =	ssyncadd.s32 $0xFFFFC000  }
0x178: {  	v3 =	vld [tilespmem:$0x140];
	_ =	sdelay $0x4  }
0x179: {  	v44 =	vshll.u32 v3, $0x3  }
0x17a: {  	v3 =	vand.u32 $0x7F, v3;
	v4 =	vand.u32 $0xFFFFFC00, v44  }
0x17b: {  	v3 =	vor.u32 v3, v4  }
0x17c: {  	v3 =	vadd.s32 v0, v3;
	_ =	sdelay $0x4  }
0x17d: {  	[tilespmem:v3+s29+$0x0] =	vst.idx.msk $0xffff, v2  }
0x17e: {  	v3 =	vld [tilespmem:$0x160];
	_ =	sdelay $0x4  }
0x17f: {  	v45 =	vshll.u32 v3, $0x3  }
0x180: {  	v3 =	vand.u32 $0x7F, v3;
	v4 =	vand.u32 $0xFFFFFC00, v45  }
0x181: {  	v3 =	vor.u32 v3, v4  }
0x182: {  	v3 =	vadd.s32 v0, v3;
	_ =	sdelay $0x4  }
0x183: {  	[tilespmem:v3+s29+$0x0] =	vst.idx.msk $0xffff, v1  }
0x184: {  	[hbm4b:s16+s3] =	stream.linear.scatter [tilespmem:s29], [sflag:$0x1], $0x4000, $0x38;
	[tilespmem:$0x8200] =	vst v63  }
0x185: {  	_ =	swait.ge [sflag:s1], $0x4000  }
0x186: {  	[sflag:s1] =	ssyncset.done $0x0  }
0x187: {  	[sflag:s1] =	ssyncadd.s32 $0xFFFFC000  }
0x188: {  	v3 =	vld [tilespmem:$0x150];
	_ =	sdelay $0x4  }
0x189: {  	v46 =	vshll.u32 v3, $0x3  }
0x18a: {  	v3 =	vand.u32 $0x7F, v3;
	v4 =	vand.u32 $0xFFFFFC00, v46  }
0x18b: {  	v3 =	vor.u32 v3, v4  }
0x18c: {  	v3 =	vadd.s32 v0, v3;
	_ =	sdelay $0x4  }
0x18d: {  	[tilespmem:v3+s30+$0x0] =	vst.idx.msk $0xffff, v2  }
0x18e: {  	v3 =	vld [tilespmem:$0x170];
	_ =	sdelay $0x4  }
0x18f: {  	v47 =	vshll.u32 v3, $0x3  }
0x190: {  	v3 =	vand.u32 $0x7F, v3;
	v4 =	vand.u32 $0xFFFFFC00, v47  }
0x191: {  	v3 =	vor.u32 v3, v4  }
0x192: {  	v3 =	vadd.s32 v0, v3;
	_ =	sdelay $0x4  }
0x193: {  	[tilespmem:v3+s30+$0x0] =	vst.idx.msk $0xffff, v1  }
0x194: {  	[hbm4b:s17+s3] =	stream.linear.scatter [tilespmem:s30], [sflag:$0x2], $0x4000, $0x38;
	[tilespmem:$0x8200] =	vst v63  }
0x195: {  	_ =	swait.ge [sflag:s31], $0x4000  }
0x196: {  	[sflag:s31] =	ssyncset.done $0x0  }
0x197: {  	[sflag:s31] =	ssyncadd.s32 $0xFFFFC000  }
0x198: {  	v3 =	vld [tilespmem:$0x160];
	_ =	sdelay $0x4  }
0x199: {  	v48 =	vshll.u32 v3, $0x3  }
0x19a: {  	v3 =	vand.u32 $0x7F, v3;
	v4 =	vand.u32 $0xFFFFFC00, v48  }
0x19b: {  	v3 =	vor.u32 v3, v4  }
0x19c: {  	v3 =	vadd.s32 v0, v3;
	_ =	sdelay $0x4  }
0x19d: {  	[tilespmem:v3+s29+$0x0] =	vst.idx.msk $0xffff, v2  }
0x19e: {  	v3 =	vld [tilespmem:$0x180];
	_ =	sdelay $0x4  }
0x19f: {  	v49 =	vshll.u32 v3, $0x3  }
0x1a0: {  	v3 =	vand.u32 $0x7F, v3;
	v4 =	vand.u32 $0xFFFFFC00, v49  }
0x1a1: {  	v3 =	vor.u32 v3, v4  }
0x1a2: {  	v3 =	vadd.s32 v0, v3;
	_ =	sdelay $0x4  }
0x1a3: {  	[tilespmem:v3+s29+$0x0] =	vst.idx.msk $0xffff, v1  }
0x1a4: {  	[hbm4b:s18+s3] =	stream.linear.scatter [tilespmem:s29], [sflag:$0x1], $0x4000, $0x38;
	[tilespmem:$0x8200] =	vst v63  }
0x1a5: {  	_ =	swait.ge [sflag:s1], $0x4000  }
0x1a6: {  	[sflag:s1] =	ssyncset.done $0x0  }
0x1a7: {  	[sflag:s1] =	ssyncadd.s32 $0xFFFFC000  }
0x1a8: {  	v3 =	vld [tilespmem:$0x170];
	_ =	sdelay $0x4  }
0x1a9: {  	v50 =	vshll.u32 v3, $0x3  }
0x1aa: {  	v3 =	vand.u32 $0x7F, v3;
	v4 =	vand.u32 $0xFFFFFC00, v50  }
0x1ab: {  	v3 =	vor.u32 v3, v4  }
0x1ac: {  	v3 =	vadd.s32 v0, v3;
	_ =	sdelay $0x4  }
0x1ad: {  	[tilespmem:v3+s30+$0x0] =	vst.idx.msk $0xffff, v2  }
0x1ae: {  	v3 =	vld [tilespmem:$0x190];
	_ =	sdelay $0x4  }
0x1af: {  	v51 =	vshll.u32 v3, $0x3  }
0x1b0: {  	v3 =	vand.u32 $0x7F, v3;
	v4 =	vand.u32 $0xFFFFFC00, v51  }
0x1b1: {  	v3 =	vor.u32 v3, v4  }
0x1b2: {  	v3 =	vadd.s32 v0, v3;
	_ =	sdelay $0x4  }
0x1b3: {  	[tilespmem:v3+s30+$0x0] =	vst.idx.msk $0xffff, v1  }
0x1b4: {  	[hbm4b:s19+s3] =	stream.linear.scatter [tilespmem:s30], [sflag:$0x2], $0x4000, $0x38;
	[tilespmem:$0x8200] =	vst v63  }
0x1b5: {  	_ =	swait.ge [sflag:s31], $0x4000  }
0x1b6: {  	[sflag:s31] =	ssyncset.done $0x0  }
0x1b7: {  	[sflag:s31] =	ssyncadd.s32 $0xFFFFC000  }
0x1b8: {  	v3 =	vld [tilespmem:$0x180];
	_ =	sdelay $0x4  }
0x1b9: {  	v52 =	vshll.u32 v3, $0x3  }
0x1ba: {  	v3 =	vand.u32 $0x7F, v3;
	v4 =	vand.u32 $0xFFFFFC00, v52  }
0x1bb: {  	v3 =	vor.u32 v3, v4  }
0x1bc: {  	v3 =	vadd.s32 v0, v3;
	_ =	sdelay $0x4  }
0x1bd: {  	[tilespmem:v3+s29+$0x0] =	vst.idx.msk $0xffff, v2  }
0x1be: {  	v3 =	vld [tilespmem:$0x1A0];
	_ =	sdelay $0x4  }
0x1bf: {  	v53 =	vshll.u32 v3, $0x3  }
0x1c0: {  	v3 =	vand.u32 $0x7F, v3;
	v4 =	vand.u32 $0xFFFFFC00, v53  }
0x1c1: {  	v3 =	vor.u32 v3, v4  }
0x1c2: {  	v3 =	vadd.s32 v0, v3;
	_ =	sdelay $0x4  }
0x1c3: {  	[tilespmem:v3+s29+$0x0] =	vst.idx.msk $0xffff, v1  }
0x1c4: {  	[hbm4b:s20+s3] =	stream.linear.scatter [tilespmem:s29], [sflag:$0x1], $0x4000, $0x38;
	[tilespmem:$0x8200] =	vst v63  }
0x1c5: {  	_ =	swait.ge [sflag:s1], $0x4000  }
0x1c6: {  	[sflag:s1] =	ssyncset.done $0x0  }
0x1c7: {  	[sflag:s1] =	ssyncadd.s32 $0xFFFFC000  }
0x1c8: {  	v3 =	vld [tilespmem:$0x190];
	_ =	sdelay $0x4  }
0x1c9: {  	v54 =	vshll.u32 v3, $0x3  }
0x1ca: {  	v3 =	vand.u32 $0x7F, v3;
	v4 =	vand.u32 $0xFFFFFC00, v54  }
0x1cb: {  	v3 =	vor.u32 v3, v4  }
0x1cc: {  	v3 =	vadd.s32 v0, v3;
	_ =	sdelay $0x4  }
0x1cd: {  	[tilespmem:v3+s30+$0x0] =	vst.idx.msk $0xffff, v2  }
0x1ce: {  	v3 =	vld [tilespmem:$0x1B0];
	_ =	sdelay $0x4  }
0x1cf: {  	v55 =	vshll.u32 v3, $0x3  }
0x1d0: {  	v3 =	vand.u32 $0x7F, v3;
	v4 =	vand.u32 $0xFFFFFC00, v55  }
0x1d1: {  	v3 =	vor.u32 v3, v4  }
0x1d2: {  	v3 =	vadd.s32 v0, v3;
	_ =	sdelay $0x4  }
0x1d3: {  	[tilespmem:v3+s30+$0x0] =	vst.idx.msk $0xffff, v1  }
0x1d4: {  	[hbm4b:s21+s3] =	stream.linear.scatter [tilespmem:s30], [sflag:$0x2], $0x4000, $0x38;
	[tilespmem:$0x8200] =	vst v63  }
0x1d5: {  	_ =	swait.ge [sflag:s31], $0x4000  }
0x1d6: {  	[sflag:s31] =	ssyncset.done $0x0  }
0x1d7: {  	[sflag:s31] =	ssyncadd.s32 $0xFFFFC000  }
0x1d8: {  	v3 =	vld [tilespmem:$0x1A0];
	_ =	sdelay $0x4  }
0x1d9: {  	v56 =	vshll.u32 v3, $0x3  }
0x1da: {  	v3 =	vand.u32 $0x7F, v3;
	v4 =	vand.u32 $0xFFFFFC00, v56  }
0x1db: {  	v3 =	vor.u32 v3, v4  }
0x1dc: {  	v3 =	vadd.s32 v0, v3;
	_ =	sdelay $0x4  }
0x1dd: {  	[tilespmem:v3+s29+$0x0] =	vst.idx.msk $0xffff, v2  }
0x1de: {  	v3 =	vld [tilespmem:$0x1C0];
	_ =	sdelay $0x4  }
0x1df: {  	v57 =	vshll.u32 v3, $0x3  }
0x1e0: {  	v3 =	vand.u32 $0x7F, v3;
	v4 =	vand.u32 $0xFFFFFC00, v57  }
0x1e1: {  	v3 =	vor.u32 v3, v4  }
0x1e2: {  	v3 =	vadd.s32 v0, v3;
	_ =	sdelay $0x4  }
0x1e3: {  	[tilespmem:v3+s29+$0x0] =	vst.idx.msk $0xffff, v1  }
0x1e4: {  	[hbm4b:s22+s3] =	stream.linear.scatter [tilespmem:s29], [sflag:$0x1], $0x4000, $0x38;
	[tilespmem:$0x8200] =	vst v63  }
0x1e5: {  	_ =	swait.ge [sflag:s1], $0x4000  }
0x1e6: {  	[sflag:s1] =	ssyncset.done $0x0  }
0x1e7: {  	[sflag:s1] =	ssyncadd.s32 $0xFFFFC000  }
0x1e8: {  	v3 =	vld [tilespmem:$0x1B0];
	_ =	sdelay $0x4  }
0x1e9: {  	v58 =	vshll.u32 v3, $0x3  }
0x1ea: {  	v3 =	vand.u32 $0x7F, v3;
	v4 =	vand.u32 $0xFFFFFC00, v58  }
0x1eb: {  	v3 =	vor.u32 v3, v4  }
0x1ec: {  	v3 =	vadd.s32 v0, v3;
	_ =	sdelay $0x4  }
0x1ed: {  	[tilespmem:v3+s30+$0x0] =	vst.idx.msk $0xffff, v2  }
0x1ee: {  	v3 =	vld [tilespmem:$0x1D0];
	_ =	sdelay $0x4  }
0x1ef: {  	v59 =	vshll.u32 v3, $0x3  }
0x1f0: {  	v3 =	vand.u32 $0x7F, v3;
	v4 =	vand.u32 $0xFFFFFC00, v59  }
0x1f1: {  	v3 =	vor.u32 v3, v4  }
0x1f2: {  	v3 =	vadd.s32 v0, v3;
	_ =	sdelay $0x4  }
0x1f3: {  	[tilespmem:v3+s30+$0x0] =	vst.idx.msk $0xffff, v1  }
0x1f4: {  	[hbm4b:s23+s3] =	stream.linear.scatter [tilespmem:s30], [sflag:$0x2], $0x4000, $0x38;
	[tilespmem:$0x8200] =	vst v63  }
0x1f5: {  	_ =	swait.ge [sflag:s31], $0x4000  }
0x1f6: {  	[sflag:s31] =	ssyncset.done $0x0  }
0x1f7: {  	[sflag:s31] =	ssyncadd.s32 $0xFFFFC000  }
0x1f8: {  	v3 =	vld [tilespmem:$0x1C0];
	_ =	sdelay $0x4  }
0x1f9: {  	v60 =	vshll.u32 v3, $0x3  }
0x1fa: {  	v3 =	vand.u32 $0x7F, v3;
	v4 =	vand.u32 $0xFFFFFC00, v60  }
0x1fb: {  	v3 =	vor.u32 v3, v4  }
0x1fc: {  	v3 =	vadd.s32 v0, v3;
	_ =	sdelay $0x4  }
0x1fd: {  	[tilespmem:v3+s29+$0x0] =	vst.idx.msk $0xffff, v2  }
0x1fe: {  	v3 =	vld [tilespmem:$0x1E0];
	_ =	sdelay $0x4  }
0x1ff: {  	v61 =	vshll.u32 v3, $0x3  }
0x200: {  	v3 =	vand.u32 $0x7F, v3;
	v4 =	vand.u32 $0xFFFFFC00, v61  }
0x201: {  	v3 =	vor.u32 v3, v4  }
0x202: {  	v3 =	vadd.s32 v0, v3;
	_ =	sdelay $0x4  }
0x203: {  	[tilespmem:v3+s29+$0x0] =	vst.idx.msk $0xffff, v1  }
0x204: {  	[hbm4b:s24+s3] =	stream.linear.scatter [tilespmem:s29], [sflag:$0x1], $0x4000, $0x38;
	[tilespmem:$0x8200] =	vst v63  }
0x205: {  	_ =	swait.ge [sflag:s1], $0x4000  }
0x206: {  	[sflag:s1] =	ssyncset.done $0x0  }
0x207: {  	[sflag:s1] =	ssyncadd.s32 $0xFFFFC000  }
0x208: {  	v3 =	vld [tilespmem:$0x1D0];
	_ =	sdelay $0x4  }
0x209: {  	v62 =	vshll.u32 v3, $0x3  }
0x20a: {  	v3 =	vand.u32 $0x7F, v3;
	v4 =	vand.u32 $0xFFFFFC00, v62  }
0x20b: {  	v3 =	vor.u32 v3, v4  }
0x20c: {  	v3 =	vadd.s32 v0, v3;
	_ =	sdelay $0x4  }
0x20d: {  	[tilespmem:v3+s30+$0x0] =	vst.idx.msk $0xffff, v2  }
0x20e: {  	v3 =	vld [tilespmem:$0x1F0];
	_ =	sdelay $0x4  }
0x20f: {  	v63 =	vshll.u32 v3, $0x3  }
0x210: {  	v3 =	vand.u32 $0x7F, v3;
	v4 =	vand.u32 $0xFFFFFC00, v63  }
0x211: {  	v3 =	vor.u32 v3, v4  }
0x212: {  	v3 =	vadd.s32 v0, v3;
	_ =	sdelay $0x4  }
0x213: {  	[tilespmem:v3+s30+$0x0] =	vst.idx.msk $0xffff, v1  }
0x214: {  	[hbm4b:s25+s3] =	stream.linear.scatter [tilespmem:s30], [sflag:$0x2], $0x4000, $0x38;
	[tilespmem:$0x8200] =	vst v63  }
0x215: {  	p0 =	sne.s32 s26, $0x1;
	_ =	swait.ge [sflag:s31], $0x4000  }
.Ltmp0:
0x216: {  	[sflag:s31] =	ssyncset.done $0x0;
	(pc) =	sbr.rel @p0 .LBB2_1-.Ltmp0, $4  }
0x217: {  	[sflag:s31] =	ssyncadd.s32 $0xFFFFC000  }
0x218: {  	_ =	swait.ge [sflag:s1], $0x4000  }
0x219: {  	[sflag:s1] =	ssyncset.done $0x0  }
0x21a: {  	s26 =	sadd.s32 $0xFFFFFFFF, s26;
	[sflag:s1] =	ssyncadd.s32 $0xFFFFC000  }
0x21b: {  	_ =	sfence.sel $0x180000  }
0x21c: {  	[bflag:$0x0] =	sbarrier.arrive $0xFFFF  }
0x21d: {  	_ =	strace $0x90000047  }
0x21e: {  	s0 =	stileid.u32;
	[bflag:$0x2] =	sbarrier.arrive $0xFFFF  }
0x21f: {  	p0 =	sne.s32 s0, $0x0;
	s0 =	rddreg [dreg:$0x3]  }
0x220: {  	s0 =	sadd.s32 @!p0 $0x100000, s0  }
0x221: {  	[sflag:s0] =	ssyncadd.tile.s32 @!p0 $0x1;
	_ =	shalt  }
.Lfunc_end2:
_tile_overlayer_lowered:
.L_overlay_start_2:
0x222: {  	(tag) =	ssettag $0x2  }
0x223: {  	s0 =	rddreg [dreg:$0x0];
	s2 =	stileid.u32  }
0x224: {  	s1 =	rddreg [dreg:$0x1];
	p0 =	sne.s32 s2, $0x0  }
0x225: {  	s3 =	rddreg [dreg:$0x2];
	[bflag:$0x3] =	sbarrier.arrive $0xFFFF;
	s2 =	simm.s32 @!p0 $0x1C03  }
0x226: {  	[timem:s3], [sflag:s2] =	dma.local @!p0 [hbm:s0], s1  }
0x227: {  	s0 =	simm.s32 @!p0 $0x3  }
0x228: {  	_ =	swait.ge @!p0 [sflag:s0], s1  }
0x229: {  	s1 =	ssub.s32 @!p0 $0x0, s1;
	[sflag:s0] =	ssyncset.done @!p0 $0x0  }
0x22a: {  	[sflag:s0] =	ssyncadd.s32 @!p0 s1  }
0x22b: {  	[bflag:$0x3] =	sbarrier.arrive $0xFFFF  }
0x22c: {  	_ =	shalt  }

</sc_bundles>
